<compile_context>
chip_gen: v7x
topology: tpu7x:2x2x1
jax: 0.10.2.dev20260603
libtpu: 0.0.44.dev20260713+nightly
codegen_flags: <defaults>
</compile_context>

<pallas_src>
import functools

import jax
import jax.numpy as jnp
from jax import lax
from jax.experimental import pallas as pl
from jax.experimental.pallas import tpu as pltpu
from jax.experimental.pallas import tpu_sc as plsc

BATCH = 4096
HIST = 200
D = 64
DP = 128
V = 1000000
NC, NS = 2, 16
NW = NC * NS
RPW = BATCH // NW
NBUF = 4

_MESH = plsc.VectorSubcoreMesh(core_axis_name="c", subcore_axis_name="s")


def _run_pipeline(n, mk_a, mk_b):

    def stat(i):
        j = i % NBUF
        mk_a(i, j).wait()
        if i >= 2:
            mk_b(0, (j + 2) % NBUF).wait()
        if i + 2 < n:
            mk_a(i + 2, (i + 2) % NBUF).start()
        mk_b(i, j).start()

    mk_a(0, 0).start()
    mk_a(1, 1).start()
    for i in range(NBUF):
        stat(i)

    t_hi = ((n - 2) // NBUF) * NBUF

    def step(ts, carry):
        for j in range(NBUF):
            i = ts * NBUF + j
            mk_a(0, j).wait()
            mk_b(0, (j + 2) % NBUF).wait()
            mk_a(i + 2, (i + 2) % NBUF).start()
            mk_b(i, j).start()
        return carry

    lax.fori_loop(1, t_hi // NBUF, step, 0)
    for i in range(t_hi, n):
        stat(i)
    mk_b(0, (n - 2) % NBUF).wait()
    mk_b(0, (n - 1) % NBUF).wait()


@functools.partial(
    pl.kernel,
    mesh=_MESH,
    out_type=jax.ShapeDtypeStruct((BATCH, HIST, DP), jnp.float32),
    scratch_types=[
        pltpu.VMEM((RPW * HIST,), jnp.int32),
        pltpu.VMEM((NBUF, HIST, DP), jnp.float32),
        pltpu.SemaphoreType.DMA((NBUF,)),
        pltpu.SemaphoreType.DMA((NBUF,)),
    ],
    compiler_params=pltpu.CompilerParams(
        use_tc_tiling_on_sc=True, needs_layout_passes=False),
)
def _gather_kernel(idx_hbm, table_hbm, out_hbm, idx_v, rows_v, sg, so):
    wid = lax.axis_index("s") * NC + lax.axis_index("c")
    b0 = wid * RPW

    pltpu.sync_copy(idx_hbm.at[pl.ds(b0 * HIST, RPW * HIST)], idx_v)

    def gather(i, b):
        return pltpu.make_async_copy(
            table_hbm.at[idx_v.at[pl.ds(i * HIST, HIST)]], rows_v.at[b],
            sg.at[b])

    def store(i, b):
        return pltpu.make_async_copy(
            rows_v.at[b], out_hbm.at[b0 + i], so.at[b])

    _run_pipeline(RPW, gather, store)


def kernel(indices, table):
    idx_flat = indices.reshape(-1)
    table_p = jnp.pad(table, ((0, 0), (0, DP - D)))
    out_p = _gather_kernel(idx_flat, table_p)
    return out_p[..., :D]

# --- scband reference (transcript-rebuilt; emitter-appended) ---
"""Pipeline reference for scband-input-embedding-42683384987955 (READ-ONLY COPY).

The authoritative reference and input builder live on the scoring server;
editing this copy changes nothing except your own understanding.
"""

import jax, jax.numpy as jnp
import numpy as np

NUM_EMBEDDINGS = 1000000
EMBED_DIM = 64
BATCH = 4096
HIST_LEN = 200


def setup_inputs(seed: int = 0) -> dict:
    key = jax.random.key(seed)
    k_idx, k_tab = jax.random.split(key)
    indices = jax.random.randint(k_idx, (BATCH, HIST_LEN), 0, NUM_EMBEDDINGS, dtype=jnp.int64 if jax.config.jax_enable_x64 else jnp.int32).astype(jnp.int32)
    table = jax.random.normal(k_tab, (NUM_EMBEDDINGS, EMBED_DIM), dtype=jnp.float32)
    return {"indices": indices, "table": table}


def reference(indices, table):
    # InputEmbedding.forward: ids -> embedding vectors (nn.Embedding lookup)
    out = jnp.take(table, indices, axis=0)
    return out

if __name__ == "__main__":
    import jax
    _d = setup_inputs()
    print(jax.jit(kernel)(*tuple(_d.values())))

</pallas_src>

<mosaic_0001>
#map = affine_map<(d0, d1) -> (0)>
#map1 = affine_map<(d0, d1) -> (0, 0)>
#map2 = affine_map<(d0, d1) -> (0, 0, 0)>
module attributes {stable_mosaic.version = 14 : i64} {
  func.func @_gather_kernel(%arg0: i32, %arg1: i32, %arg2: memref<819200xi32, #tpu.memory_space<hbm>>, %arg3: memref<1000000x128xf32, #tpu.memory_space<hbm>>, %arg4: memref<4096x200x128xf32, #tpu.memory_space<hbm>>, %arg5: memref<25600xi32, #tpu.memory_space<vmem>>, %arg6: memref<4x200x128xf32, #tpu.memory_space<vmem>>, %arg7: memref<4x!tpu.dma_semaphore, #tpu.memory_space<semaphore_mem>>, %arg8: memref<4x!tpu.dma_semaphore, #tpu.memory_space<semaphore_mem>>) attributes {dimension_semantics = [#tpu.dimension_semantics<core_parallel>, #tpu.dimension_semantics<subcore_parallel>], iteration_bounds = array<i64: 2, 16>, scalar_prefetch = 0 : i64, scratch_operands = 4 : i64, tpu.core_type = #tpu.core_type<sc_vector_subcore>, window_params = [{transform_indices = #map}, {transform_indices = #map1}, {transform_indices = #map2}]} {
    %mul3A = arith.constant 2 : i32
    %mul3A_0 = arith.muli %arg1, %mul3A : i32
    %add3A = arith.addi %mul3A_0, %arg0 : i32
    %mul3A_1 = arith.constant 128 : i32
    %mul3A_2 = arith.muli %add3A, %mul3A_1 : i32
    %mul3A_3 = arith.constant 200 : i32
    %mul3A_4 = arith.muli %mul3A_2, %mul3A_3 : i32
    "tpu.region"() ({
      %run_scoped3A = tpu.sem_alloc : memref<!tpu.dma_semaphore, #tpu.memory_space<semaphore_mem>>
      %dma_start3A_568 = tpu.memref_slice %arg2[%mul3A_4] : memref<819200xi32, #tpu.memory_space<hbm>> -> memref<25600xi32, #tpu.memory_space<hbm>>
      %dma_start3A_569 = tpu.memref_slice %arg2[%mul3A_4] : memref<819200xi32, #tpu.memory_space<hbm>> -> memref<25600xi32, #tpu.memory_space<hbm>>
      tpu.enqueue_dma source(%dma_start3A_569 : memref<25600xi32, #tpu.memory_space<hbm>>) target(%arg5 : memref<25600xi32, #tpu.memory_space<vmem>>) target_semaphore(%run_scoped3A : memref<!tpu.dma_semaphore, #tpu.memory_space<semaphore_mem>>)
      %dma_wait3A_570 = tpu.memref_slice %arg2[%mul3A_4] : memref<819200xi32, #tpu.memory_space<hbm>> -> memref<25600xi32, #tpu.memory_space<hbm>>
      %dma_wait3A_571 = tpu.memref_slice %arg2[%mul3A_4] : memref<819200xi32, #tpu.memory_space<hbm>> -> memref<25600xi32, #tpu.memory_space<hbm>>
      tpu.wait_dma2 semaphore(%run_scoped3A : memref<!tpu.dma_semaphore, #tpu.memory_space<semaphore_mem>>) src(%dma_wait3A_571 : memref<25600xi32, #tpu.memory_space<hbm>>) dst(%arg5 : memref<25600xi32, #tpu.memory_space<vmem>>)
      tpu.yield
    }) : () -> ()
    %dma_start3A = arith.constant 0 : i32
    %dma_start3A_5 = arith.constant 0 : i32
    %dma_start3A_6 = arith.constant 0 : i32
    %dma_start3A_7 = arith.constant 0 : i32
    %dma_start3A_8 = tpu.memref_slice %arg6[%dma_start3A, %dma_start3A_6, %dma_start3A_7] : memref<4x200x128xf32, #tpu.memory_space<vmem>> -> memref<1x200x128xf32, #tpu.memory_space<vmem>>
    %dma_start3A_9 = tpu.memref_squeeze %dma_start3A_8 : memref<1x200x128xf32, #tpu.memory_space<vmem>> -> memref<200x128xf32, #tpu.memory_space<vmem>>
    %dma_start3A_10 = arith.constant 0 : i32
    %dma_start3A_11 = tpu.memref_slice %arg5[%dma_start3A_10] : memref<25600xi32, #tpu.memory_space<vmem>> -> memref<200xi32, #tpu.memory_space<vmem>>
    %dma_start3A_12 = arith.constant 0 : i32
    %dma_start3A_13 = arith.constant 0 : i32
    %dma_start3A_14 = tpu.memref_slice %arg3[%dma_start3A_12, %dma_start3A_13] : memref<1000000x128xf32, #tpu.memory_space<hbm>> -> memref<1000000x128xf32, #tpu.memory_space<hbm>>
    %dma_start3A_15 = tpu.memref_slice %arg7[%dma_start3A_5] : memref<4x!tpu.dma_semaphore, #tpu.memory_space<semaphore_mem>> -> memref<1x!tpu.dma_semaphore, #tpu.memory_space<semaphore_mem>>
    %dma_start3A_16 = tpu.memref_squeeze %dma_start3A_15 : memref<1x!tpu.dma_semaphore, #tpu.memory_space<semaphore_mem>> -> memref<!tpu.dma_semaphore, #tpu.memory_space<semaphore_mem>>
    tpu.enqueue_indirect_dma source(%dma_start3A_14 : memref<1000000x128xf32, #tpu.memory_space<hbm>>) target(%dma_start3A_9 : memref<200x128xf32, #tpu.memory_space<vmem>>) offsets(%dma_start3A_11 : memref<200xi32, #tpu.memory_space<vmem>>) semaphore(%dma_start3A_16 : memref<!tpu.dma_semaphore, #tpu.memory_space<semaphore_mem>>)
    %dma_start3A_17 = arith.constant 1 : i32
    %dma_start3A_18 = arith.constant 1 : i32
    %dma_start3A_19 = arith.constant 0 : i32
    %dma_start3A_20 = arith.constant 0 : i32
    %dma_start3A_21 = tpu.memref_slice %arg6[%dma_start3A_17, %dma_start3A_19, %dma_start3A_20] : memref<4x200x128xf32, #tpu.memory_space<vmem>> -> memref<1x200x128xf32, #tpu.memory_space<vmem>>
    %dma_start3A_22 = tpu.memref_squeeze %dma_start3A_21 : memref<1x200x128xf32, #tpu.memory_space<vmem>> -> memref<200x128xf32, #tpu.memory_space<vmem>>
    %dma_start3A_23 = arith.constant 200 : i32
    %dma_start3A_24 = tpu.memref_slice %arg5[%dma_start3A_23] : memref<25600xi32, #tpu.memory_space<vmem>> -> memref<200xi32, #tpu.memory_space<vmem>>
    %dma_start3A_25 = arith.constant 0 : i32
    %dma_start3A_26 = arith.constant 0 : i32
    %dma_start3A_27 = tpu.memref_slice %arg3[%dma_start3A_25, %dma_start3A_26] : memref<1000000x128xf32, #tpu.memory_space<hbm>> -> memref<1000000x128xf32, #tpu.memory_space<hbm>>
    %dma_start3A_28 = tpu.memref_slice %arg7[%dma_start3A_18] : memref<4x!tpu.dma_semaphore, #tpu.memory_space<semaphore_mem>> -> memref<1x!tpu.dma_semaphore, #tpu.memory_space<semaphore_mem>>
    %dma_start3A_29 = tpu.memref_squeeze %dma_start3A_28 : memref<1x!tpu.dma_semaphore, #tpu.memory_space<semaphore_mem>> -> memref<!tpu.dma_semaphore, #tpu.memory_space<semaphore_mem>>
    tpu.enqueue_indirect_dma source(%dma_start3A_27 : memref<1000000x128xf32, #tpu.memory_space<hbm>>) target(%dma_start3A_22 : memref<200x128xf32, #tpu.memory_space<vmem>>) offsets(%dma_start3A_24 : memref<200xi32, #tpu.memory_space<vmem>>) semaphore(%dma_start3A_29 : memref<!tpu.dma_semaphore, #tpu.memory_space<semaphore_mem>>)
    %dma_wait3A = arith.constant 0 : i32
    %dma_wait3A_30 = arith.constant 0 : i32
    %dma_wait3A_31 = arith.constant 0 : i32
    %dma_wait3A_32 = arith.constant 0 : i32
    %dma_wait3A_33 = tpu.memref_slice %arg6[%dma_wait3A, %dma_wait3A_31, %dma_wait3A_32] : memref<4x200x128xf32, #tpu.memory_space<vmem>> -> memref<1x200x128xf32, #tpu.memory_space<vmem>>
    %dma_wait3A_34 = tpu.memref_squeeze %dma_wait3A_33 : memref<1x200x128xf32, #tpu.memory_space<vmem>> -> memref<200x128xf32, #tpu.memory_space<vmem>>
    %dma_wait3A_35 = arith.constant 0 : i32
    %dma_wait3A_36 = tpu.memref_slice %arg5[%dma_wait3A_35] : memref<25600xi32, #tpu.memory_space<vmem>> -> memref<200xi32, #tpu.memory_space<vmem>>
    %dma_wait3A_37 = arith.constant 0 : i32
    %dma_wait3A_38 = arith.constant 0 : i32
    %dma_wait3A_39 = tpu.memref_slice %arg3[%dma_wait3A_37, %dma_wait3A_38] : memref<1000000x128xf32, #tpu.memory_space<hbm>> -> memref<1000000x128xf32, #tpu.memory_space<hbm>>
    %dma_wait3A_40 = tpu.memref_slice %arg7[%dma_wait3A_30] : memref<4x!tpu.dma_semaphore, #tpu.memory_space<semaphore_mem>> -> memref<1x!tpu.dma_semaphore, #tpu.memory_space<semaphore_mem>>
    %dma_wait3A_41 = tpu.memref_squeeze %dma_wait3A_40 : memref<1x!tpu.dma_semaphore, #tpu.memory_space<semaphore_mem>> -> memref<!tpu.dma_semaphore, #tpu.memory_space<semaphore_mem>>
    tpu.wait_indirect_dma semaphore(%dma_wait3A_41 : memref<!tpu.dma_semaphore, #tpu.memory_space<semaphore_mem>>) src(%dma_wait3A_39 : memref<1000000x128xf32, #tpu.memory_space<hbm>>) dst(%dma_wait3A_34 : memref<200x128xf32, #tpu.memory_space<vmem>>)
    %dma_start3A_42 = arith.constant 2 : i32
    %dma_start3A_43 = arith.constant 2 : i32
    %dma_start3A_44 = arith.constant 0 : i32
    %dma_start3A_45 = arith.constant 0 : i32
    %dma_start3A_46 = tpu.memref_slice %arg6[%dma_start3A_42, %dma_start3A_44, %dma_start3A_45] : memref<4x200x128xf32, #tpu.memory_space<vmem>> -> memref<1x200x128xf32, #tpu.memory_space<vmem>>
    %dma_start3A_47 = tpu.memref_squeeze %dma_start3A_46 : memref<1x200x128xf32, #tpu.memory_space<vmem>> -> memref<200x128xf32, #tpu.memory_space<vmem>>
    %dma_start3A_48 = arith.constant 400 : i32
    %dma_start3A_49 = tpu.memref_slice %arg5[%dma_start3A_48] : memref<25600xi32, #tpu.memory_space<vmem>> -> memref<200xi32, #tpu.memory_space<vmem>>
    %dma_start3A_50 = arith.constant 0 : i32
    %dma_start3A_51 = arith.constant 0 : i32
    %dma_start3A_52 = tpu.memref_slice %arg3[%dma_start3A_50, %dma_start3A_51] : memref<1000000x128xf32, #tpu.memory_space<hbm>> -> memref<1000000x128xf32, #tpu.memory_space<hbm>>
    %dma_start3A_53 = tpu.memref_slice %arg7[%dma_start3A_43] : memref<4x!tpu.dma_semaphore, #tpu.memory_space<semaphore_mem>> -> memref<1x!tpu.dma_semaphore, #tpu.memory_space<semaphore_mem>>
    %dma_start3A_54 = tpu.memref_squeeze %dma_start3A_53 : memref<1x!tpu.dma_semaphore, #tpu.memory_space<semaphore_mem>> -> memref<!tpu.dma_semaphore, #tpu.memory_space<semaphore_mem>>
    tpu.enqueue_indirect_dma source(%dma_start3A_52 : memref<1000000x128xf32, #tpu.memory_space<hbm>>) target(%dma_start3A_47 : memref<200x128xf32, #tpu.memory_space<vmem>>) offsets(%dma_start3A_49 : memref<200xi32, #tpu.memory_space<vmem>>) semaphore(%dma_start3A_54 : memref<!tpu.dma_semaphore, #tpu.memory_space<semaphore_mem>>)
    %add3A_55 = arith.constant 0 : i32
    %add3A_56 = arith.addi %mul3A_2, %add3A_55 : i32
    %dma_start3A_57 = arith.constant 0 : i32
    %dma_start3A_58 = arith.constant 0 : i32
    %dma_start3A_59 = arith.constant 0 : i32
    %dma_start3A_60 = arith.constant 0 : i32
    %dma_start3A_61 = tpu.memref_slice %arg6[%dma_start3A_57, %dma_start3A_59, %dma_start3A_60] : memref<4x200x128xf32, #tpu.memory_space<vmem>> -> memref<1x200x128xf32, #tpu.memory_space<vmem>>
    %dma_start3A_62 = tpu.memref_squeeze %dma_start3A_61 : memref<1x200x128xf32, #tpu.memory_space<vmem>> -> memref<200x128xf32, #tpu.memory_space<vmem>>
    %dma_start3A_63 = arith.constant 0 : i32
    %dma_start3A_64 = arith.constant 0 : i32
    %dma_start3A_65 = tpu.memref_slice %arg4[%add3A_56, %dma_start3A_63, %dma_start3A_64] : memref<4096x200x128xf32, #tpu.memory_space<hbm>> -> memref<1x200x128xf32, #tpu.memory_space<hbm>>
    %dma_start3A_66 = tpu.memref_squeeze %dma_start3A_65 : memref<1x200x128xf32, #tpu.memory_space<hbm>> -> memref<200x128xf32, #tpu.memory_space<hbm>>
    %dma_start3A_67 = tpu.memref_slice %arg8[%dma_start3A_58] : memref<4x!tpu.dma_semaphore, #tpu.memory_space<semaphore_mem>> -> memref<1x!tpu.dma_semaphore, #tpu.memory_space<semaphore_mem>>
    %dma_start3A_68 = tpu.memref_squeeze %dma_start3A_67 : memref<1x!tpu.dma_semaphore, #tpu.memory_space<semaphore_mem>> -> memref<!tpu.dma_semaphore, #tpu.memory_space<semaphore_mem>>
    %dma_start3A_69 = arith.constant 0 : i32
    %dma_start3A_70 = arith.constant 0 : i32
    %dma_start3A_71 = tpu.memref_slice %arg4[%add3A_56, %dma_start3A_69, %dma_start3A_70] : memref<4096x200x128xf32, #tpu.memory_space<hbm>> -> memref<1x200x128xf32, #tpu.memory_space<hbm>>
    %dma_start3A_72 = tpu.memref_squeeze %dma_start3A_71 : memref<1x200x128xf32, #tpu.memory_space<hbm>> -> memref<200x128xf32, #tpu.memory_space<hbm>>
    %dma_start3A_73 = arith.constant 0 : i32
    %dma_start3A_74 = arith.constant 0 : i32
    %dma_start3A_75 = tpu.memref_slice %arg6[%dma_start3A_57, %dma_start3A_73, %dma_start3A_74] : memref<4x200x128xf32, #tpu.memory_space<vmem>> -> memref<1x200x128xf32, #tpu.memory_space<vmem>>
    %dma_start3A_76 = tpu.memref_squeeze %dma_start3A_75 : memref<1x200x128xf32, #tpu.memory_space<vmem>> -> memref<200x128xf32, #tpu.memory_space<vmem>>
    tpu.enqueue_dma source(%dma_start3A_76 : memref<200x128xf32, #tpu.memory_space<vmem>>) target(%dma_start3A_72 : memref<200x128xf32, #tpu.memory_space<hbm>>) target_semaphore(%dma_start3A_68 : memref<!tpu.dma_semaphore, #tpu.memory_space<semaphore_mem>>)
    %dma_wait3A_77 = arith.constant 1 : i32
    %dma_wait3A_78 = arith.constant 1 : i32
    %dma_wait3A_79 = arith.constant 0 : i32
    %dma_wait3A_80 = arith.constant 0 : i32
    %dma_wait3A_81 = tpu.memref_slice %arg6[%dma_wait3A_77, %dma_wait3A_79, %dma_wait3A_80] : memref<4x200x128xf32, #tpu.memory_space<vmem>> -> memref<1x200x128xf32, #tpu.memory_space<vmem>>
    %dma_wait3A_82 = tpu.memref_squeeze %dma_wait3A_81 : memref<1x200x128xf32, #tpu.memory_space<vmem>> -> memref<200x128xf32, #tpu.memory_space<vmem>>
    %dma_wait3A_83 = arith.constant 200 : i32
    %dma_wait3A_84 = tpu.memref_slice %arg5[%dma_wait3A_83] : memref<25600xi32, #tpu.memory_space<vmem>> -> memref<200xi32, #tpu.memory_space<vmem>>
    %dma_wait3A_85 = arith.constant 0 : i32
    %dma_wait3A_86 = arith.constant 0 : i32
    %dma_wait3A_87 = tpu.memref_slice %arg3[%dma_wait3A_85, %dma_wait3A_86] : memref<1000000x128xf32, #tpu.memory_space<hbm>> -> memref<1000000x128xf32, #tpu.memory_space<hbm>>
    %dma_wait3A_88 = tpu.memref_slice %arg7[%dma_wait3A_78] : memref<4x!tpu.dma_semaphore, #tpu.memory_space<semaphore_mem>> -> memref<1x!tpu.dma_semaphore, #tpu.memory_space<semaphore_mem>>
    %dma_wait3A_89 = tpu.memref_squeeze %dma_wait3A_88 : memref<1x!tpu.dma_semaphore, #tpu.memory_space<semaphore_mem>> -> memref<!tpu.dma_semaphore, #tpu.memory_space<semaphore_mem>>
    tpu.wait_indirect_dma semaphore(%dma_wait3A_89 : memref<!tpu.dma_semaphore, #tpu.memory_space<semaphore_mem>>) src(%dma_wait3A_87 : memref<1000000x128xf32, #tpu.memory_space<hbm>>) dst(%dma_wait3A_82 : memref<200x128xf32, #tpu.memory_space<vmem>>)
    %dma_start3A_90 = arith.constant 3 : i32
    %dma_start3A_91 = arith.constant 3 : i32
    %dma_start3A_92 = arith.constant 0 : i32
    %dma_start3A_93 = arith.constant 0 : i32
    %dma_start3A_94 = tpu.memref_slice %arg6[%dma_start3A_90, %dma_start3A_92, %dma_start3A_93] : memref<4x200x128xf32, #tpu.memory_space<vmem>> -> memref<1x200x128xf32, #tpu.memory_space<vmem>>
    %dma_start3A_95 = tpu.memref_squeeze %dma_start3A_94 : memref<1x200x128xf32, #tpu.memory_space<vmem>> -> memref<200x128xf32, #tpu.memory_space<vmem>>
    %dma_start3A_96 = arith.constant 600 : i32
    %dma_start3A_97 = tpu.memref_slice %arg5[%dma_start3A_96] : memref<25600xi32, #tpu.memory_space<vmem>> -> memref<200xi32, #tpu.memory_space<vmem>>
    %dma_start3A_98 = arith.constant 0 : i32
    %dma_start3A_99 = arith.constant 0 : i32
    %dma_start3A_100 = tpu.memref_slice %arg3[%dma_start3A_98, %dma_start3A_99] : memref<1000000x128xf32, #tpu.memory_space<hbm>> -> memref<1000000x128xf32, #tpu.memory_space<hbm>>
    %dma_start3A_101 = tpu.memref_slice %arg7[%dma_start3A_91] : memref<4x!tpu.dma_semaphore, #tpu.memory_space<semaphore_mem>> -> memref<1x!tpu.dma_semaphore, #tpu.memory_space<semaphore_mem>>
    %dma_start3A_102 = tpu.memref_squeeze %dma_start3A_101 : memref<1x!tpu.dma_semaphore, #tpu.memory_space<semaphore_mem>> -> memref<!tpu.dma_semaphore, #tpu.memory_space<semaphore_mem>>
    tpu.enqueue_indirect_dma source(%dma_start3A_100 : memref<1000000x128xf32, #tpu.memory_space<hbm>>) target(%dma_start3A_95 : memref<200x128xf32, #tpu.memory_space<vmem>>) offsets(%dma_start3A_97 : memref<200xi32, #tpu.memory_space<vmem>>) semaphore(%dma_start3A_102 : memref<!tpu.dma_semaphore, #tpu.memory_space<semaphore_mem>>)
    %add3A_103 = arith.constant 1 : i32
    %add3A_104 = arith.addi %mul3A_2, %add3A_103 : i32
    %dma_start3A_105 = arith.constant 1 : i32
    %dma_start3A_106 = arith.constant 1 : i32
    %dma_start3A_107 = arith.constant 0 : i32
    %dma_start3A_108 = arith.constant 0 : i32
    %dma_start3A_109 = tpu.memref_slice %arg6[%dma_start3A_105, %dma_start3A_107, %dma_start3A_108] : memref<4x200x128xf32, #tpu.memory_space<vmem>> -> memref<1x200x128xf32, #tpu.memory_space<vmem>>
    %dma_start3A_110 = tpu.memref_squeeze %dma_start3A_109 : memref<1x200x128xf32, #tpu.memory_space<vmem>> -> memref<200x128xf32, #tpu.memory_space<vmem>>
    %dma_start3A_111 = arith.constant 0 : i32
    %dma_start3A_112 = arith.constant 0 : i32
    %dma_start3A_113 = tpu.memref_slice %arg4[%add3A_104, %dma_start3A_111, %dma_start3A_112] : memref<4096x200x128xf32, #tpu.memory_space<hbm>> -> memref<1x200x128xf32, #tpu.memory_space<hbm>>
    %dma_start3A_114 = tpu.memref_squeeze %dma_start3A_113 : memref<1x200x128xf32, #tpu.memory_space<hbm>> -> memref<200x128xf32, #tpu.memory_space<hbm>>
    %dma_start3A_115 = tpu.memref_slice %arg8[%dma_start3A_106] : memref<4x!tpu.dma_semaphore, #tpu.memory_space<semaphore_mem>> -> memref<1x!tpu.dma_semaphore, #tpu.memory_space<semaphore_mem>>
    %dma_start3A_116 = tpu.memref_squeeze %dma_start3A_115 : memref<1x!tpu.dma_semaphore, #tpu.memory_space<semaphore_mem>> -> memref<!tpu.dma_semaphore, #tpu.memory_space<semaphore_mem>>
    %dma_start3A_117 = arith.constant 0 : i32
    %dma_start3A_118 = arith.constant 0 : i32
    %dma_start3A_119 = tpu.memref_slice %arg4[%add3A_104, %dma_start3A_117, %dma_start3A_118] : memref<4096x200x128xf32, #tpu.memory_space<hbm>> -> memref<1x200x128xf32, #tpu.memory_space<hbm>>
    %dma_start3A_120 = tpu.memref_squeeze %dma_start3A_119 : memref<1x200x128xf32, #tpu.memory_space<hbm>> -> memref<200x128xf32, #tpu.memory_space<hbm>>
    %dma_start3A_121 = arith.constant 0 : i32
    %dma_start3A_122 = arith.constant 0 : i32
    %dma_start3A_123 = tpu.memref_slice %arg6[%dma_start3A_105, %dma_start3A_121, %dma_start3A_122] : memref<4x200x128xf32, #tpu.memory_space<vmem>> -> memref<1x200x128xf32, #tpu.memory_space<vmem>>
    %dma_start3A_124 = tpu.memref_squeeze %dma_start3A_123 : memref<1x200x128xf32, #tpu.memory_space<vmem>> -> memref<200x128xf32, #tpu.memory_space<vmem>>
    tpu.enqueue_dma source(%dma_start3A_124 : memref<200x128xf32, #tpu.memory_space<vmem>>) target(%dma_start3A_120 : memref<200x128xf32, #tpu.memory_space<hbm>>) target_semaphore(%dma_start3A_116 : memref<!tpu.dma_semaphore, #tpu.memory_space<semaphore_mem>>)
    %dma_wait3A_125 = arith.constant 2 : i32
    %dma_wait3A_126 = arith.constant 2 : i32
    %dma_wait3A_127 = arith.constant 0 : i32
    %dma_wait3A_128 = arith.constant 0 : i32
    %dma_wait3A_129 = tpu.memref_slice %arg6[%dma_wait3A_125, %dma_wait3A_127, %dma_wait3A_128] : memref<4x200x128xf32, #tpu.memory_space<vmem>> -> memref<1x200x128xf32, #tpu.memory_space<vmem>>
    %dma_wait3A_130 = tpu.memref_squeeze %dma_wait3A_129 : memref<1x200x128xf32, #tpu.memory_space<vmem>> -> memref<200x128xf32, #tpu.memory_space<vmem>>
    %dma_wait3A_131 = arith.constant 400 : i32
    %dma_wait3A_132 = tpu.memref_slice %arg5[%dma_wait3A_131] : memref<25600xi32, #tpu.memory_space<vmem>> -> memref<200xi32, #tpu.memory_space<vmem>>
    %dma_wait3A_133 = arith.constant 0 : i32
    %dma_wait3A_134 = arith.constant 0 : i32
    %dma_wait3A_135 = tpu.memref_slice %arg3[%dma_wait3A_133, %dma_wait3A_134] : memref<1000000x128xf32, #tpu.memory_space<hbm>> -> memref<1000000x128xf32, #tpu.memory_space<hbm>>
    %dma_wait3A_136 = tpu.memref_slice %arg7[%dma_wait3A_126] : memref<4x!tpu.dma_semaphore, #tpu.memory_space<semaphore_mem>> -> memref<1x!tpu.dma_semaphore, #tpu.memory_space<semaphore_mem>>
    %dma_wait3A_137 = tpu.memref_squeeze %dma_wait3A_136 : memref<1x!tpu.dma_semaphore, #tpu.memory_space<semaphore_mem>> -> memref<!tpu.dma_semaphore, #tpu.memory_space<semaphore_mem>>
    tpu.wait_indirect_dma semaphore(%dma_wait3A_137 : memref<!tpu.dma_semaphore, #tpu.memory_space<semaphore_mem>>) src(%dma_wait3A_135 : memref<1000000x128xf32, #tpu.memory_space<hbm>>) dst(%dma_wait3A_130 : memref<200x128xf32, #tpu.memory_space<vmem>>)
    %add3A_138 = arith.constant 0 : i32
    %add3A_139 = arith.addi %mul3A_2, %add3A_138 : i32
    %dma_wait3A_140 = arith.constant 0 : i32
    %dma_wait3A_141 = arith.constant 0 : i32
    %dma_wait3A_142 = arith.constant 0 : i32
    %dma_wait3A_143 = arith.constant 0 : i32
    %dma_wait3A_144 = tpu.memref_slice %arg6[%dma_wait3A_140, %dma_wait3A_142, %dma_wait3A_143] : memref<4x200x128xf32, #tpu.memory_space<vmem>> -> memref<1x200x128xf32, #tpu.memory_space<vmem>>
    %dma_wait3A_145 = tpu.memref_squeeze %dma_wait3A_144 : memref<1x200x128xf32, #tpu.memory_space<vmem>> -> memref<200x128xf32, #tpu.memory_space<vmem>>
    %dma_wait3A_146 = arith.constant 0 : i32
    %dma_wait3A_147 = arith.constant 0 : i32
    %dma_wait3A_148 = tpu.memref_slice %arg4[%add3A_139, %dma_wait3A_146, %dma_wait3A_147] : memref<4096x200x128xf32, #tpu.memory_space<hbm>> -> memref<1x200x128xf32, #tpu.memory_space<hbm>>
    %dma_wait3A_149 = tpu.memref_squeeze %dma_wait3A_148 : memref<1x200x128xf32, #tpu.memory_space<hbm>> -> memref<200x128xf32, #tpu.memory_space<hbm>>
    %dma_wait3A_150 = tpu.memref_slice %arg8[%dma_wait3A_141] : memref<4x!tpu.dma_semaphore, #tpu.memory_space<semaphore_mem>> -> memref<1x!tpu.dma_semaphore, #tpu.memory_space<semaphore_mem>>
    %dma_wait3A_151 = tpu.memref_squeeze %dma_wait3A_150 : memref<1x!tpu.dma_semaphore, #tpu.memory_space<semaphore_mem>> -> memref<!tpu.dma_semaphore, #tpu.memory_space<semaphore_mem>>
    %dma_wait3A_152 = arith.constant 0 : i32
    %dma_wait3A_153 = arith.constant 0 : i32
    %dma_wait3A_154 = tpu.memref_slice %arg4[%add3A_139, %dma_wait3A_152, %dma_wait3A_153] : memref<4096x200x128xf32, #tpu.memory_space<hbm>> -> memref<1x200x128xf32, #tpu.memory_space<hbm>>
    %dma_wait3A_155 = tpu.memref_squeeze %dma_wait3A_154 : memref<1x200x128xf32, #tpu.memory_space<hbm>> -> memref<200x128xf32, #tpu.memory_space<hbm>>
    %dma_wait3A_156 = arith.constant 0 : i32
    %dma_wait3A_157 = arith.constant 0 : i32
    %dma_wait3A_158 = tpu.memref_slice %arg6[%dma_wait3A_140, %dma_wait3A_156, %dma_wait3A_157] : memref<4x200x128xf32, #tpu.memory_space<vmem>> -> memref<1x200x128xf32, #tpu.memory_space<vmem>>
    %dma_wait3A_159 = tpu.memref_squeeze %dma_wait3A_158 : memref<1x200x128xf32, #tpu.memory_space<vmem>> -> memref<200x128xf32, #tpu.memory_space<vmem>>
    tpu.wait_dma2 semaphore(%dma_wait3A_151 : memref<!tpu.dma_semaphore, #tpu.memory_space<semaphore_mem>>) src(%dma_wait3A_159 : memref<200x128xf32, #tpu.memory_space<vmem>>) dst(%dma_wait3A_155 : memref<200x128xf32, #tpu.memory_space<hbm>>)
    %dma_start3A_160 = arith.constant 0 : i32
    %dma_start3A_161 = arith.constant 0 : i32
    %dma_start3A_162 = arith.constant 0 : i32
    %dma_start3A_163 = arith.constant 0 : i32
    %dma_start3A_164 = tpu.memref_slice %arg6[%dma_start3A_160, %dma_start3A_162, %dma_start3A_163] : memref<4x200x128xf32, #tpu.memory_space<vmem>> -> memref<1x200x128xf32, #tpu.memory_space<vmem>>
    %dma_start3A_165 = tpu.memref_squeeze %dma_start3A_164 : memref<1x200x128xf32, #tpu.memory_space<vmem>> -> memref<200x128xf32, #tpu.memory_space<vmem>>
    %dma_start3A_166 = arith.constant 800 : i32
    %dma_start3A_167 = tpu.memref_slice %arg5[%dma_start3A_166] : memref<25600xi32, #tpu.memory_space<vmem>> -> memref<200xi32, #tpu.memory_space<vmem>>
    %dma_start3A_168 = arith.constant 0 : i32
    %dma_start3A_169 = arith.constant 0 : i32
    %dma_start3A_170 = tpu.memref_slice %arg3[%dma_start3A_168, %dma_start3A_169] : memref<1000000x128xf32, #tpu.memory_space<hbm>> -> memref<1000000x128xf32, #tpu.memory_space<hbm>>
    %dma_start3A_171 = tpu.memref_slice %arg7[%dma_start3A_161] : memref<4x!tpu.dma_semaphore, #tpu.memory_space<semaphore_mem>> -> memref<1x!tpu.dma_semaphore, #tpu.memory_space<semaphore_mem>>
    %dma_start3A_172 = tpu.memref_squeeze %dma_start3A_171 : memref<1x!tpu.dma_semaphore, #tpu.memory_space<semaphore_mem>> -> memref<!tpu.dma_semaphore, #tpu.memory_space<semaphore_mem>>
    tpu.enqueue_indirect_dma source(%dma_start3A_170 : memref<1000000x128xf32, #tpu.memory_space<hbm>>) target(%dma_start3A_165 : memref<200x128xf32, #tpu.memory_space<vmem>>) offsets(%dma_start3A_167 : memref<200xi32, #tpu.memory_space<vmem>>) semaphore(%dma_start3A_172 : memref<!tpu.dma_semaphore, #tpu.memory_space<semaphore_mem>>)
    %add3A_173 = arith.constant 2 : i32
    %add3A_174 = arith.addi %mul3A_2, %add3A_173 : i32
    %dma_start3A_175 = arith.constant 2 : i32
    %dma_start3A_176 = arith.constant 2 : i32
    %dma_start3A_177 = arith.constant 0 : i32
    %dma_start3A_178 = arith.constant 0 : i32
    %dma_start3A_179 = tpu.memref_slice %arg6[%dma_start3A_175, %dma_start3A_177, %dma_start3A_178] : memref<4x200x128xf32, #tpu.memory_space<vmem>> -> memref<1x200x128xf32, #tpu.memory_space<vmem>>
    %dma_start3A_180 = tpu.memref_squeeze %dma_start3A_179 : memref<1x200x128xf32, #tpu.memory_space<vmem>> -> memref<200x128xf32, #tpu.memory_space<vmem>>
    %dma_start3A_181 = arith.constant 0 : i32
    %dma_start3A_182 = arith.constant 0 : i32
    %dma_start3A_183 = tpu.memref_slice %arg4[%add3A_174, %dma_start3A_181, %dma_start3A_182] : memref<4096x200x128xf32, #tpu.memory_space<hbm>> -> memref<1x200x128xf32, #tpu.memory_space<hbm>>
    %dma_start3A_184 = tpu.memref_squeeze %dma_start3A_183 : memref<1x200x128xf32, #tpu.memory_space<hbm>> -> memref<200x128xf32, #tpu.memory_space<hbm>>
    %dma_start3A_185 = tpu.memref_slice %arg8[%dma_start3A_176] : memref<4x!tpu.dma_semaphore, #tpu.memory_space<semaphore_mem>> -> memref<1x!tpu.dma_semaphore, #tpu.memory_space<semaphore_mem>>
    %dma_start3A_186 = tpu.memref_squeeze %dma_start3A_185 : memref<1x!tpu.dma_semaphore, #tpu.memory_space<semaphore_mem>> -> memref<!tpu.dma_semaphore, #tpu.memory_space<semaphore_mem>>
    %dma_start3A_187 = arith.constant 0 : i32
    %dma_start3A_188 = arith.constant 0 : i32
    %dma_start3A_189 = tpu.memref_slice %arg4[%add3A_174, %dma_start3A_187, %dma_start3A_188] : memref<4096x200x128xf32, #tpu.memory_space<hbm>> -> memref<1x200x128xf32, #tpu.memory_space<hbm>>
    %dma_start3A_190 = tpu.memref_squeeze %dma_start3A_189 : memref<1x200x128xf32, #tpu.memory_space<hbm>> -> memref<200x128xf32, #tpu.memory_space<hbm>>
    %dma_start3A_191 = arith.constant 0 : i32
    %dma_start3A_192 = arith.constant 0 : i32
    %dma_start3A_193 = tpu.memref_slice %arg6[%dma_start3A_175, %dma_start3A_191, %dma_start3A_192] : memref<4x200x128xf32, #tpu.memory_space<vmem>> -> memref<1x200x128xf32, #tpu.memory_space<vmem>>
    %dma_start3A_194 = tpu.memref_squeeze %dma_start3A_193 : memref<1x200x128xf32, #tpu.memory_space<vmem>> -> memref<200x128xf32, #tpu.memory_space<vmem>>
    tpu.enqueue_dma source(%dma_start3A_194 : memref<200x128xf32, #tpu.memory_space<vmem>>) target(%dma_start3A_190 : memref<200x128xf32, #tpu.memory_space<hbm>>) target_semaphore(%dma_start3A_186 : memref<!tpu.dma_semaphore, #tpu.memory_space<semaphore_mem>>)
    %dma_wait3A_195 = arith.constant 3 : i32
    %dma_wait3A_196 = arith.constant 3 : i32
    %dma_wait3A_197 = arith.constant 0 : i32
    %dma_wait3A_198 = arith.constant 0 : i32
    %dma_wait3A_199 = tpu.memref_slice %arg6[%dma_wait3A_195, %dma_wait3A_197, %dma_wait3A_198] : memref<4x200x128xf32, #tpu.memory_space<vmem>> -> memref<1x200x128xf32, #tpu.memory_space<vmem>>
    %dma_wait3A_200 = tpu.memref_squeeze %dma_wait3A_199 : memref<1x200x128xf32, #tpu.memory_space<vmem>> -> memref<200x128xf32, #tpu.memory_space<vmem>>
    %dma_wait3A_201 = arith.constant 600 : i32
    %dma_wait3A_202 = tpu.memref_slice %arg5[%dma_wait3A_201] : memref<25600xi32, #tpu.memory_space<vmem>> -> memref<200xi32, #tpu.memory_space<vmem>>
    %dma_wait3A_203 = arith.constant 0 : i32
    %dma_wait3A_204 = arith.constant 0 : i32
    %dma_wait3A_205 = tpu.memref_slice %arg3[%dma_wait3A_203, %dma_wait3A_204] : memref<1000000x128xf32, #tpu.memory_space<hbm>> -> memref<1000000x128xf32, #tpu.memory_space<hbm>>
    %dma_wait3A_206 = tpu.memref_slice %arg7[%dma_wait3A_196] : memref<4x!tpu.dma_semaphore, #tpu.memory_space<semaphore_mem>> -> memref<1x!tpu.dma_semaphore, #tpu.memory_space<semaphore_mem>>
    %dma_wait3A_207 = tpu.memref_squeeze %dma_wait3A_206 : memref<1x!tpu.dma_semaphore, #tpu.memory_space<semaphore_mem>> -> memref<!tpu.dma_semaphore, #tpu.memory_space<semaphore_mem>>
    tpu.wait_indirect_dma semaphore(%dma_wait3A_207 : memref<!tpu.dma_semaphore, #tpu.memory_space<semaphore_mem>>) src(%dma_wait3A_205 : memref<1000000x128xf32, #tpu.memory_space<hbm>>) dst(%dma_wait3A_200 : memref<200x128xf32, #tpu.memory_space<vmem>>)
    %add3A_208 = arith.constant 0 : i32
    %add3A_209 = arith.addi %mul3A_2, %add3A_208 : i32
    %dma_wait3A_210 = arith.constant 1 : i32
    %dma_wait3A_211 = arith.constant 1 : i32
    %dma_wait3A_212 = arith.constant 0 : i32
    %dma_wait3A_213 = arith.constant 0 : i32
    %dma_wait3A_214 = tpu.memref_slice %arg6[%dma_wait3A_210, %dma_wait3A_212, %dma_wait3A_213] : memref<4x200x128xf32, #tpu.memory_space<vmem>> -> memref<1x200x128xf32, #tpu.memory_space<vmem>>
    %dma_wait3A_215 = tpu.memref_squeeze %dma_wait3A_214 : memref<1x200x128xf32, #tpu.memory_space<vmem>> -> memref<200x128xf32, #tpu.memory_space<vmem>>
    %dma_wait3A_216 = arith.constant 0 : i32
    %dma_wait3A_217 = arith.constant 0 : i32
    %dma_wait3A_218 = tpu.memref_slice %arg4[%add3A_209, %dma_wait3A_216, %dma_wait3A_217] : memref<4096x200x128xf32, #tpu.memory_space<hbm>> -> memref<1x200x128xf32, #tpu.memory_space<hbm>>
    %dma_wait3A_219 = tpu.memref_squeeze %dma_wait3A_218 : memref<1x200x128xf32, #tpu.memory_space<hbm>> -> memref<200x128xf32, #tpu.memory_space<hbm>>
    %dma_wait3A_220 = tpu.memref_slice %arg8[%dma_wait3A_211] : memref<4x!tpu.dma_semaphore, #tpu.memory_space<semaphore_mem>> -> memref<1x!tpu.dma_semaphore, #tpu.memory_space<semaphore_mem>>
    %dma_wait3A_221 = tpu.memref_squeeze %dma_wait3A_220 : memref<1x!tpu.dma_semaphore, #tpu.memory_space<semaphore_mem>> -> memref<!tpu.dma_semaphore, #tpu.memory_space<semaphore_mem>>
    %dma_wait3A_222 = arith.constant 0 : i32
    %dma_wait3A_223 = arith.constant 0 : i32
    %dma_wait3A_224 = tpu.memref_slice %arg4[%add3A_209, %dma_wait3A_222, %dma_wait3A_223] : memref<4096x200x128xf32, #tpu.memory_space<hbm>> -> memref<1x200x128xf32, #tpu.memory_space<hbm>>
    %dma_wait3A_225 = tpu.memref_squeeze %dma_wait3A_224 : memref<1x200x128xf32, #tpu.memory_space<hbm>> -> memref<200x128xf32, #tpu.memory_space<hbm>>
    %dma_wait3A_226 = arith.constant 0 : i32
    %dma_wait3A_227 = arith.constant 0 : i32
    %dma_wait3A_228 = tpu.memref_slice %arg6[%dma_wait3A_210, %dma_wait3A_226, %dma_wait3A_227] : memref<4x200x128xf32, #tpu.memory_space<vmem>> -> memref<1x200x128xf32, #tpu.memory_space<vmem>>
    %dma_wait3A_229 = tpu.memref_squeeze %dma_wait3A_228 : memref<1x200x128xf32, #tpu.memory_space<vmem>> -> memref<200x128xf32, #tpu.memory_space<vmem>>
    tpu.wait_dma2 semaphore(%dma_wait3A_221 : memref<!tpu.dma_semaphore, #tpu.memory_space<semaphore_mem>>) src(%dma_wait3A_229 : memref<200x128xf32, #tpu.memory_space<vmem>>) dst(%dma_wait3A_225 : memref<200x128xf32, #tpu.memory_space<hbm>>)
    %dma_start3A_230 = arith.constant 1 : i32
    %dma_start3A_231 = arith.constant 1 : i32
    %dma_start3A_232 = arith.constant 0 : i32
    %dma_start3A_233 = arith.constant 0 : i32
    %dma_start3A_234 = tpu.memref_slice %arg6[%dma_start3A_230, %dma_start3A_232, %dma_start3A_233] : memref<4x200x128xf32, #tpu.memory_space<vmem>> -> memref<1x200x128xf32, #tpu.memory_space<vmem>>
    %dma_start3A_235 = tpu.memref_squeeze %dma_start3A_234 : memref<1x200x128xf32, #tpu.memory_space<vmem>> -> memref<200x128xf32, #tpu.memory_space<vmem>>
    %dma_start3A_236 = arith.constant 1000 : i32
    %dma_start3A_237 = tpu.memref_slice %arg5[%dma_start3A_236] : memref<25600xi32, #tpu.memory_space<vmem>> -> memref<200xi32, #tpu.memory_space<vmem>>
    %dma_start3A_238 = arith.constant 0 : i32
    %dma_start3A_239 = arith.constant 0 : i32
    %dma_start3A_240 = tpu.memref_slice %arg3[%dma_start3A_238, %dma_start3A_239] : memref<1000000x128xf32, #tpu.memory_space<hbm>> -> memref<1000000x128xf32, #tpu.memory_space<hbm>>
    %dma_start3A_241 = tpu.memref_slice %arg7[%dma_start3A_231] : memref<4x!tpu.dma_semaphore, #tpu.memory_space<semaphore_mem>> -> memref<1x!tpu.dma_semaphore, #tpu.memory_space<semaphore_mem>>
    %dma_start3A_242 = tpu.memref_squeeze %dma_start3A_241 : memref<1x!tpu.dma_semaphore, #tpu.memory_space<semaphore_mem>> -> memref<!tpu.dma_semaphore, #tpu.memory_space<semaphore_mem>>
    tpu.enqueue_indirect_dma source(%dma_start3A_240 : memref<1000000x128xf32, #tpu.memory_space<hbm>>) target(%dma_start3A_235 : memref<200x128xf32, #tpu.memory_space<vmem>>) offsets(%dma_start3A_237 : memref<200xi32, #tpu.memory_space<vmem>>) semaphore(%dma_start3A_242 : memref<!tpu.dma_semaphore, #tpu.memory_space<semaphore_mem>>)
    %add3A_243 = arith.constant 3 : i32
    %add3A_244 = arith.addi %mul3A_2, %add3A_243 : i32
    %dma_start3A_245 = arith.constant 3 : i32
    %dma_start3A_246 = arith.constant 3 : i32
    %dma_start3A_247 = arith.constant 0 : i32
    %dma_start3A_248 = arith.constant 0 : i32
    %dma_start3A_249 = tpu.memref_slice %arg6[%dma_start3A_245, %dma_start3A_247, %dma_start3A_248] : memref<4x200x128xf32, #tpu.memory_space<vmem>> -> memref<1x200x128xf32, #tpu.memory_space<vmem>>
    %dma_start3A_250 = tpu.memref_squeeze %dma_start3A_249 : memref<1x200x128xf32, #tpu.memory_space<vmem>> -> memref<200x128xf32, #tpu.memory_space<vmem>>
    %dma_start3A_251 = arith.constant 0 : i32
    %dma_start3A_252 = arith.constant 0 : i32
    %dma_start3A_253 = tpu.memref_slice %arg4[%add3A_244, %dma_start3A_251, %dma_start3A_252] : memref<4096x200x128xf32, #tpu.memory_space<hbm>> -> memref<1x200x128xf32, #tpu.memory_space<hbm>>
    %dma_start3A_254 = tpu.memref_squeeze %dma_start3A_253 : memref<1x200x128xf32, #tpu.memory_space<hbm>> -> memref<200x128xf32, #tpu.memory_space<hbm>>
    %dma_start3A_255 = tpu.memref_slice %arg8[%dma_start3A_246] : memref<4x!tpu.dma_semaphore, #tpu.memory_space<semaphore_mem>> -> memref<1x!tpu.dma_semaphore, #tpu.memory_space<semaphore_mem>>
    %dma_start3A_256 = tpu.memref_squeeze %dma_start3A_255 : memref<1x!tpu.dma_semaphore, #tpu.memory_space<semaphore_mem>> -> memref<!tpu.dma_semaphore, #tpu.memory_space<semaphore_mem>>
    %dma_start3A_257 = arith.constant 0 : i32
    %dma_start3A_258 = arith.constant 0 : i32
    %dma_start3A_259 = tpu.memref_slice %arg4[%add3A_244, %dma_start3A_257, %dma_start3A_258] : memref<4096x200x128xf32, #tpu.memory_space<hbm>> -> memref<1x200x128xf32, #tpu.memory_space<hbm>>
    %dma_start3A_260 = tpu.memref_squeeze %dma_start3A_259 : memref<1x200x128xf32, #tpu.memory_space<hbm>> -> memref<200x128xf32, #tpu.memory_space<hbm>>
    %dma_start3A_261 = arith.constant 0 : i32
    %dma_start3A_262 = arith.constant 0 : i32
    %dma_start3A_263 = tpu.memref_slice %arg6[%dma_start3A_245, %dma_start3A_261, %dma_start3A_262] : memref<4x200x128xf32, #tpu.memory_space<vmem>> -> memref<1x200x128xf32, #tpu.memory_space<vmem>>
    %dma_start3A_264 = tpu.memref_squeeze %dma_start3A_263 : memref<1x200x128xf32, #tpu.memory_space<vmem>> -> memref<200x128xf32, #tpu.memory_space<vmem>>
    tpu.enqueue_dma source(%dma_start3A_264 : memref<200x128xf32, #tpu.memory_space<vmem>>) target(%dma_start3A_260 : memref<200x128xf32, #tpu.memory_space<hbm>>) target_semaphore(%dma_start3A_256 : memref<!tpu.dma_semaphore, #tpu.memory_space<semaphore_mem>>)
    %scan3A = arith.constant 0 : i32
    %scan3A_265 = arith.constant 1 : i32
    %scan3A_266 = arith.constant 30 : i32
    %scan3A_267 = arith.addi %scan3A_265, %scan3A_266 : i32
    %scan3A_268 = arith.constant 1 : i32
    scf.for %scan3A_568 = %scan3A_265 to %scan3A_267 step %scan3A_268  : i32 {
      %mul3A_569 = arith.constant 4 : i32
      %mul3A_570 = arith.muli %scan3A_568, %mul3A_569 : i32
      %add3A_571 = arith.constant 0 : i32
      %add3A_572 = arith.addi %mul3A_570, %add3A_571 : i32
      %dma_wait3A_573 = arith.constant 0 : i32
      %dma_wait3A_574 = arith.constant 0 : i32
      %dma_wait3A_575 = arith.constant 0 : i32
      %dma_wait3A_576 = arith.constant 0 : i32
      %dma_wait3A_577 = tpu.memref_slice %arg6[%dma_wait3A_573, %dma_wait3A_575, %dma_wait3A_576] : memref<4x200x128xf32, #tpu.memory_space<vmem>> -> memref<1x200x128xf32, #tpu.memory_space<vmem>>
      %dma_wait3A_578 = tpu.memref_squeeze %dma_wait3A_577 : memref<1x200x128xf32, #tpu.memory_space<vmem>> -> memref<200x128xf32, #tpu.memory_space<vmem>>
      %dma_wait3A_579 = arith.constant 0 : i32
      %dma_wait3A_580 = tpu.memref_slice %arg5[%dma_wait3A_579] : memref<25600xi32, #tpu.memory_space<vmem>> -> memref<200xi32, #tpu.memory_space<vmem>>
      %dma_wait3A_581 = arith.constant 0 : i32
      %dma_wait3A_582 = arith.constant 0 : i32
      %dma_wait3A_583 = tpu.memref_slice %arg3[%dma_wait3A_581, %dma_wait3A_582] : memref<1000000x128xf32, #tpu.memory_space<hbm>> -> memref<1000000x128xf32, #tpu.memory_space<hbm>>
      %dma_wait3A_584 = tpu.memref_slice %arg7[%dma_wait3A_574] : memref<4x!tpu.dma_semaphore, #tpu.memory_space<semaphore_mem>> -> memref<1x!tpu.dma_semaphore, #tpu.memory_space<semaphore_mem>>
      %dma_wait3A_585 = tpu.memref_squeeze %dma_wait3A_584 : memref<1x!tpu.dma_semaphore, #tpu.memory_space<semaphore_mem>> -> memref<!tpu.dma_semaphore, #tpu.memory_space<semaphore_mem>>
      tpu.wait_indirect_dma semaphore(%dma_wait3A_585 : memref<!tpu.dma_semaphore, #tpu.memory_space<semaphore_mem>>) src(%dma_wait3A_583 : memref<1000000x128xf32, #tpu.memory_space<hbm>>) dst(%dma_wait3A_578 : memref<200x128xf32, #tpu.memory_space<vmem>>)
      %add3A_586 = arith.constant 0 : i32
      %add3A_587 = arith.addi %mul3A_2, %add3A_586 : i32
      %dma_wait3A_588 = arith.constant 2 : i32
      %dma_wait3A_589 = arith.constant 2 : i32
      %dma_wait3A_590 = arith.constant 0 : i32
      %dma_wait3A_591 = arith.constant 0 : i32
      %dma_wait3A_592 = tpu.memref_slice %arg6[%dma_wait3A_588, %dma_wait3A_590, %dma_wait3A_591] : memref<4x200x128xf32, #tpu.memory_space<vmem>> -> memref<1x200x128xf32, #tpu.memory_space<vmem>>
      %dma_wait3A_593 = tpu.memref_squeeze %dma_wait3A_592 : memref<1x200x128xf32, #tpu.memory_space<vmem>> -> memref<200x128xf32, #tpu.memory_space<vmem>>
      %dma_wait3A_594 = arith.constant 0 : i32
      %dma_wait3A_595 = arith.constant 0 : i32
      %dma_wait3A_596 = tpu.memref_slice %arg4[%add3A_587, %dma_wait3A_594, %dma_wait3A_595] : memref<4096x200x128xf32, #tpu.memory_space<hbm>> -> memref<1x200x128xf32, #tpu.memory_space<hbm>>
      %dma_wait3A_597 = tpu.memref_squeeze %dma_wait3A_596 : memref<1x200x128xf32, #tpu.memory_space<hbm>> -> memref<200x128xf32, #tpu.memory_space<hbm>>
      %dma_wait3A_598 = tpu.memref_slice %arg8[%dma_wait3A_589] : memref<4x!tpu.dma_semaphore, #tpu.memory_space<semaphore_mem>> -> memref<1x!tpu.dma_semaphore, #tpu.memory_space<semaphore_mem>>
      %dma_wait3A_599 = tpu.memref_squeeze %dma_wait3A_598 : memref<1x!tpu.dma_semaphore, #tpu.memory_space<semaphore_mem>> -> memref<!tpu.dma_semaphore, #tpu.memory_space<semaphore_mem>>
      %dma_wait3A_600 = arith.constant 0 : i32
      %dma_wait3A_601 = arith.constant 0 : i32
      %dma_wait3A_602 = tpu.memref_slice %arg4[%add3A_587, %dma_wait3A_600, %dma_wait3A_601] : memref<4096x200x128xf32, #tpu.memory_space<hbm>> -> memref<1x200x128xf32, #tpu.memory_space<hbm>>
      %dma_wait3A_603 = tpu.memref_squeeze %dma_wait3A_602 : memref<1x200x128xf32, #tpu.memory_space<hbm>> -> memref<200x128xf32, #tpu.memory_space<hbm>>
      %dma_wait3A_604 = arith.constant 0 : i32
      %dma_wait3A_605 = arith.constant 0 : i32
      %dma_wait3A_606 = tpu.memref_slice %arg6[%dma_wait3A_588, %dma_wait3A_604, %dma_wait3A_605] : memref<4x200x128xf32, #tpu.memory_space<vmem>> -> memref<1x200x128xf32, #tpu.memory_space<vmem>>
      %dma_wait3A_607 = tpu.memref_squeeze %dma_wait3A_606 : memref<1x200x128xf32, #tpu.memory_space<vmem>> -> memref<200x128xf32, #tpu.memory_space<vmem>>
      tpu.wait_dma2 semaphore(%dma_wait3A_599 : memref<!tpu.dma_semaphore, #tpu.memory_space<semaphore_mem>>) src(%dma_wait3A_607 : memref<200x128xf32, #tpu.memory_space<vmem>>) dst(%dma_wait3A_603 : memref<200x128xf32, #tpu.memory_space<hbm>>)
      %add3A_608 = arith.constant 2 : i32
      %add3A_609 = arith.addi %add3A_572, %add3A_608 : i32
      %add3A_610 = arith.constant 2 : i32
      %add3A_611 = arith.addi %add3A_572, %add3A_610 : i32
      %jit3A = arith.constant 4 : i32
      %eq3A = arith.constant 0 : i32
      %eq3A_612 = arith.cmpi eq, %jit3A, %eq3A : i32
      %jit3A_613 = arith.constant 1 : i32
      %select_n3A = arith.select %eq3A_612, %jit3A_613, %jit3A : i32
      %rem3A = arith.remsi %add3A_611, %select_n3A : i32
      %ne3A = arith.constant 0 : i32
      %ne3A_614 = arith.cmpi ne, %rem3A, %ne3A : i32
      %lt3A = arith.constant 0 : i32
      %lt3A_615 = arith.cmpi slt, %rem3A, %lt3A : i32
      %lt3A_616 = arith.constant 0 : i32
      %lt3A_617 = arith.cmpi slt, %select_n3A, %lt3A_616 : i32
      %ne3A_618 = arith.xori %lt3A_615, %lt3A_617 : i1
      %and3A = arith.andi %ne3A_618, %ne3A_614 : i1
      %add3A_619 = arith.addi %rem3A, %select_n3A : i32
      %select_n3A_620 = arith.select %and3A, %add3A_619, %rem3A : i32
      %mul3A_621 = arith.constant 200 : i32
      %mul3A_622 = arith.muli %add3A_609, %mul3A_621 : i32
      %dma_start3A_623 = arith.constant 0 : i32
      %dma_start3A_624 = arith.constant 0 : i32
      %dma_start3A_625 = tpu.memref_slice %arg6[%select_n3A_620, %dma_start3A_623, %dma_start3A_624] : memref<4x200x128xf32, #tpu.memory_space<vmem>> -> memref<1x200x128xf32, #tpu.memory_space<vmem>>
      %dma_start3A_626 = tpu.memref_squeeze %dma_start3A_625 : memref<1x200x128xf32, #tpu.memory_space<vmem>> -> memref<200x128xf32, #tpu.memory_space<vmem>>
      %dma_start3A_627 = tpu.memref_slice %arg5[%mul3A_622] : memref<25600xi32, #tpu.memory_space<vmem>> -> memref<200xi32, #tpu.memory_space<vmem>>
      %dma_start3A_628 = arith.constant 0 : i32
      %dma_start3A_629 = arith.constant 0 : i32
      %dma_start3A_630 = tpu.memref_slice %arg3[%dma_start3A_628, %dma_start3A_629] : memref<1000000x128xf32, #tpu.memory_space<hbm>> -> memref<1000000x128xf32, #tpu.memory_space<hbm>>
      %dma_start3A_631 = tpu.memref_slice %arg7[%select_n3A_620] : memref<4x!tpu.dma_semaphore, #tpu.memory_space<semaphore_mem>> -> memref<1x!tpu.dma_semaphore, #tpu.memory_space<semaphore_mem>>
      %dma_start3A_632 = tpu.memref_squeeze %dma_start3A_631 : memref<1x!tpu.dma_semaphore, #tpu.memory_space<semaphore_mem>> -> memref<!tpu.dma_semaphore, #tpu.memory_space<semaphore_mem>>
      tpu.enqueue_indirect_dma source(%dma_start3A_630 : memref<1000000x128xf32, #tpu.memory_space<hbm>>) target(%dma_start3A_626 : memref<200x128xf32, #tpu.memory_space<vmem>>) offsets(%dma_start3A_627 : memref<200xi32, #tpu.memory_space<vmem>>) semaphore(%dma_start3A_632 : memref<!tpu.dma_semaphore, #tpu.memory_space<semaphore_mem>>)
      %add3A_633 = arith.addi %mul3A_2, %add3A_572 : i32
      %dma_start3A_634 = arith.constant 0 : i32
      %dma_start3A_635 = arith.constant 0 : i32
      %dma_start3A_636 = arith.constant 0 : i32
      %dma_start3A_637 = arith.constant 0 : i32
      %dma_start3A_638 = tpu.memref_slice %arg6[%dma_start3A_634, %dma_start3A_636, %dma_start3A_637] : memref<4x200x128xf32, #tpu.memory_space<vmem>> -> memref<1x200x128xf32, #tpu.memory_space<vmem>>
      %dma_start3A_639 = tpu.memref_squeeze %dma_start3A_638 : memref<1x200x128xf32, #tpu.memory_space<vmem>> -> memref<200x128xf32, #tpu.memory_space<vmem>>
      %dma_start3A_640 = arith.constant 0 : i32
      %dma_start3A_641 = arith.constant 0 : i32
      %dma_start3A_642 = tpu.memref_slice %arg4[%add3A_633, %dma_start3A_640, %dma_start3A_641] : memref<4096x200x128xf32, #tpu.memory_space<hbm>> -> memref<1x200x128xf32, #tpu.memory_space<hbm>>
      %dma_start3A_643 = tpu.memref_squeeze %dma_start3A_642 : memref<1x200x128xf32, #tpu.memory_space<hbm>> -> memref<200x128xf32, #tpu.memory_space<hbm>>
      %dma_start3A_644 = tpu.memref_slice %arg8[%dma_start3A_635] : memref<4x!tpu.dma_semaphore, #tpu.memory_space<semaphore_mem>> -> memref<1x!tpu.dma_semaphore, #tpu.memory_space<semaphore_mem>>
      %dma_start3A_645 = tpu.memref_squeeze %dma_start3A_644 : memref<1x!tpu.dma_semaphore, #tpu.memory_space<semaphore_mem>> -> memref<!tpu.dma_semaphore, #tpu.memory_space<semaphore_mem>>
      %dma_start3A_646 = arith.constant 0 : i32
      %dma_start3A_647 = arith.constant 0 : i32
      %dma_start3A_648 = tpu.memref_slice %arg4[%add3A_633, %dma_start3A_646, %dma_start3A_647] : memref<4096x200x128xf32, #tpu.memory_space<hbm>> -> memref<1x200x128xf32, #tpu.memory_space<hbm>>
      %dma_start3A_649 = tpu.memref_squeeze %dma_start3A_648 : memref<1x200x128xf32, #tpu.memory_space<hbm>> -> memref<200x128xf32, #tpu.memory_space<hbm>>
      %dma_start3A_650 = arith.constant 0 : i32
      %dma_start3A_651 = arith.constant 0 : i32
      %dma_start3A_652 = tpu.memref_slice %arg6[%dma_start3A_634, %dma_start3A_650, %dma_start3A_651] : memref<4x200x128xf32, #tpu.memory_space<vmem>> -> memref<1x200x128xf32, #tpu.memory_space<vmem>>
      %dma_start3A_653 = tpu.memref_squeeze %dma_start3A_652 : memref<1x200x128xf32, #tpu.memory_space<vmem>> -> memref<200x128xf32, #tpu.memory_space<vmem>>
      tpu.enqueue_dma source(%dma_start3A_653 : memref<200x128xf32, #tpu.memory_space<vmem>>) target(%dma_start3A_649 : memref<200x128xf32, #tpu.memory_space<hbm>>) target_semaphore(%dma_start3A_645 : memref<!tpu.dma_semaphore, #tpu.memory_space<semaphore_mem>>)
      %mul3A_654 = arith.constant 4 : i32
      %mul3A_655 = arith.muli %scan3A_568, %mul3A_654 : i32
      %add3A_656 = arith.constant 1 : i32
      %add3A_657 = arith.addi %mul3A_655, %add3A_656 : i32
      %dma_wait3A_658 = arith.constant 1 : i32
      %dma_wait3A_659 = arith.constant 1 : i32
      %dma_wait3A_660 = arith.constant 0 : i32
      %dma_wait3A_661 = arith.constant 0 : i32
      %dma_wait3A_662 = tpu.memref_slice %arg6[%dma_wait3A_658, %dma_wait3A_660, %dma_wait3A_661] : memref<4x200x128xf32, #tpu.memory_space<vmem>> -> memref<1x200x128xf32, #tpu.memory_space<vmem>>
      %dma_wait3A_663 = tpu.memref_squeeze %dma_wait3A_662 : memref<1x200x128xf32, #tpu.memory_space<vmem>> -> memref<200x128xf32, #tpu.memory_space<vmem>>
      %dma_wait3A_664 = arith.constant 0 : i32
      %dma_wait3A_665 = tpu.memref_slice %arg5[%dma_wait3A_664] : memref<25600xi32, #tpu.memory_space<vmem>> -> memref<200xi32, #tpu.memory_space<vmem>>
      %dma_wait3A_666 = arith.constant 0 : i32
      %dma_wait3A_667 = arith.constant 0 : i32
      %dma_wait3A_668 = tpu.memref_slice %arg3[%dma_wait3A_666, %dma_wait3A_667] : memref<1000000x128xf32, #tpu.memory_space<hbm>> -> memref<1000000x128xf32, #tpu.memory_space<hbm>>
      %dma_wait3A_669 = tpu.memref_slice %arg7[%dma_wait3A_659] : memref<4x!tpu.dma_semaphore, #tpu.memory_space<semaphore_mem>> -> memref<1x!tpu.dma_semaphore, #tpu.memory_space<semaphore_mem>>
      %dma_wait3A_670 = tpu.memref_squeeze %dma_wait3A_669 : memref<1x!tpu.dma_semaphore, #tpu.memory_space<semaphore_mem>> -> memref<!tpu.dma_semaphore, #tpu.memory_space<semaphore_mem>>
      tpu.wait_indirect_dma semaphore(%dma_wait3A_670 : memref<!tpu.dma_semaphore, #tpu.memory_space<semaphore_mem>>) src(%dma_wait3A_668 : memref<1000000x128xf32, #tpu.memory_space<hbm>>) dst(%dma_wait3A_663 : memref<200x128xf32, #tpu.memory_space<vmem>>)
      %add3A_671 = arith.constant 0 : i32
      %add3A_672 = arith.addi %mul3A_2, %add3A_671 : i32
      %dma_wait3A_673 = arith.constant 3 : i32
      %dma_wait3A_674 = arith.constant 3 : i32
      %dma_wait3A_675 = arith.constant 0 : i32
      %dma_wait3A_676 = arith.constant 0 : i32
      %dma_wait3A_677 = tpu.memref_slice %arg6[%dma_wait3A_673, %dma_wait3A_675, %dma_wait3A_676] : memref<4x200x128xf32, #tpu.memory_space<vmem>> -> memref<1x200x128xf32, #tpu.memory_space<vmem>>
      %dma_wait3A_678 = tpu.memref_squeeze %dma_wait3A_677 : memref<1x200x128xf32, #tpu.memory_space<vmem>> -> memref<200x128xf32, #tpu.memory_space<vmem>>
      %dma_wait3A_679 = arith.constant 0 : i32
      %dma_wait3A_680 = arith.constant 0 : i32
      %dma_wait3A_681 = tpu.memref_slice %arg4[%add3A_672, %dma_wait3A_679, %dma_wait3A_680] : memref<4096x200x128xf32, #tpu.memory_space<hbm>> -> memref<1x200x128xf32, #tpu.memory_space<hbm>>
      %dma_wait3A_682 = tpu.memref_squeeze %dma_wait3A_681 : memref<1x200x128xf32, #tpu.memory_space<hbm>> -> memref<200x128xf32, #tpu.memory_space<hbm>>
      %dma_wait3A_683 = tpu.memref_slice %arg8[%dma_wait3A_674] : memref<4x!tpu.dma_semaphore, #tpu.memory_space<semaphore_mem>> -> memref<1x!tpu.dma_semaphore, #tpu.memory_space<semaphore_mem>>
      %dma_wait3A_684 = tpu.memref_squeeze %dma_wait3A_683 : memref<1x!tpu.dma_semaphore, #tpu.memory_space<semaphore_mem>> -> memref<!tpu.dma_semaphore, #tpu.memory_space<semaphore_mem>>
      %dma_wait3A_685 = arith.constant 0 : i32
      %dma_wait3A_686 = arith.constant 0 : i32
      %dma_wait3A_687 = tpu.memref_slice %arg4[%add3A_672, %dma_wait3A_685, %dma_wait3A_686] : memref<4096x200x128xf32, #tpu.memory_space<hbm>> -> memref<1x200x128xf32, #tpu.memory_space<hbm>>
      %dma_wait3A_688 = tpu.memref_squeeze %dma_wait3A_687 : memref<1x200x128xf32, #tpu.memory_space<hbm>> -> memref<200x128xf32, #tpu.memory_space<hbm>>
      %dma_wait3A_689 = arith.constant 0 : i32
      %dma_wait3A_690 = arith.constant 0 : i32
      %dma_wait3A_691 = tpu.memref_slice %arg6[%dma_wait3A_673, %dma_wait3A_689, %dma_wait3A_690] : memref<4x200x128xf32, #tpu.memory_space<vmem>> -> memref<1x200x128xf32, #tpu.memory_space<vmem>>
      %dma_wait3A_692 = tpu.memref_squeeze %dma_wait3A_691 : memref<1x200x128xf32, #tpu.memory_space<vmem>> -> memref<200x128xf32, #tpu.memory_space<vmem>>
      tpu.wait_dma2 semaphore(%dma_wait3A_684 : memref<!tpu.dma_semaphore, #tpu.memory_space<semaphore_mem>>) src(%dma_wait3A_692 : memref<200x128xf32, #tpu.memory_space<vmem>>) dst(%dma_wait3A_688 : memref<200x128xf32, #tpu.memory_space<hbm>>)
      %add3A_693 = arith.constant 2 : i32
      %add3A_694 = arith.addi %add3A_657, %add3A_693 : i32
      %add3A_695 = arith.constant 2 : i32
      %add3A_696 = arith.addi %add3A_657, %add3A_695 : i32
      %jit3A_697 = arith.constant 4 : i32
      %eq3A_698 = arith.constant 0 : i32
      %eq3A_699 = arith.cmpi eq, %jit3A_697, %eq3A_698 : i32
      %jit3A_700 = arith.constant 1 : i32
      %select_n3A_701 = arith.select %eq3A_699, %jit3A_700, %jit3A_697 : i32
      %rem3A_702 = arith.remsi %add3A_696, %select_n3A_701 : i32
      %ne3A_703 = arith.constant 0 : i32
      %ne3A_704 = arith.cmpi ne, %rem3A_702, %ne3A_703 : i32
      %lt3A_705 = arith.constant 0 : i32
      %lt3A_706 = arith.cmpi slt, %rem3A_702, %lt3A_705 : i32
      %lt3A_707 = arith.constant 0 : i32
      %lt3A_708 = arith.cmpi slt, %select_n3A_701, %lt3A_707 : i32
      %ne3A_709 = arith.xori %lt3A_706, %lt3A_708 : i1
      %and3A_710 = arith.andi %ne3A_709, %ne3A_704 : i1
      %add3A_711 = arith.addi %rem3A_702, %select_n3A_701 : i32
      %select_n3A_712 = arith.select %and3A_710, %add3A_711, %rem3A_702 : i32
      %mul3A_713 = arith.constant 200 : i32
      %mul3A_714 = arith.muli %add3A_694, %mul3A_713 : i32
      %dma_start3A_715 = arith.constant 0 : i32
      %dma_start3A_716 = arith.constant 0 : i32
      %dma_start3A_717 = tpu.memref_slice %arg6[%select_n3A_712, %dma_start3A_715, %dma_start3A_716] : memref<4x200x128xf32, #tpu.memory_space<vmem>> -> memref<1x200x128xf32, #tpu.memory_space<vmem>>
      %dma_start3A_718 = tpu.memref_squeeze %dma_start3A_717 : memref<1x200x128xf32, #tpu.memory_space<vmem>> -> memref<200x128xf32, #tpu.memory_space<vmem>>
      %dma_start3A_719 = tpu.memref_slice %arg5[%mul3A_714] : memref<25600xi32, #tpu.memory_space<vmem>> -> memref<200xi32, #tpu.memory_space<vmem>>
      %dma_start3A_720 = arith.constant 0 : i32
      %dma_start3A_721 = arith.constant 0 : i32
      %dma_start3A_722 = tpu.memref_slice %arg3[%dma_start3A_720, %dma_start3A_721] : memref<1000000x128xf32, #tpu.memory_space<hbm>> -> memref<1000000x128xf32, #tpu.memory_space<hbm>>
      %dma_start3A_723 = tpu.memref_slice %arg7[%select_n3A_712] : memref<4x!tpu.dma_semaphore, #tpu.memory_space<semaphore_mem>> -> memref<1x!tpu.dma_semaphore, #tpu.memory_space<semaphore_mem>>
      %dma_start3A_724 = tpu.memref_squeeze %dma_start3A_723 : memref<1x!tpu.dma_semaphore, #tpu.memory_space<semaphore_mem>> -> memref<!tpu.dma_semaphore, #tpu.memory_space<semaphore_mem>>
      tpu.enqueue_indirect_dma source(%dma_start3A_722 : memref<1000000x128xf32, #tpu.memory_space<hbm>>) target(%dma_start3A_718 : memref<200x128xf32, #tpu.memory_space<vmem>>) offsets(%dma_start3A_719 : memref<200xi32, #tpu.memory_space<vmem>>) semaphore(%dma_start3A_724 : memref<!tpu.dma_semaphore, #tpu.memory_space<semaphore_mem>>)
      %add3A_725 = arith.addi %mul3A_2, %add3A_657 : i32
      %dma_start3A_726 = arith.constant 1 : i32
      %dma_start3A_727 = arith.constant 1 : i32
      %dma_start3A_728 = arith.constant 0 : i32
      %dma_start3A_729 = arith.constant 0 : i32
      %dma_start3A_730 = tpu.memref_slice %arg6[%dma_start3A_726, %dma_start3A_728, %dma_start3A_729] : memref<4x200x128xf32, #tpu.memory_space<vmem>> -> memref<1x200x128xf32, #tpu.memory_space<vmem>>
      %dma_start3A_731 = tpu.memref_squeeze %dma_start3A_730 : memref<1x200x128xf32, #tpu.memory_space<vmem>> -> memref<200x128xf32, #tpu.memory_space<vmem>>
      %dma_start3A_732 = arith.constant 0 : i32
      %dma_start3A_733 = arith.constant 0 : i32
      %dma_start3A_734 = tpu.memref_slice %arg4[%add3A_725, %dma_start3A_732, %dma_start3A_733] : memref<4096x200x128xf32, #tpu.memory_space<hbm>> -> memref<1x200x128xf32, #tpu.memory_space<hbm>>
      %dma_start3A_735 = tpu.memref_squeeze %dma_start3A_734 : memref<1x200x128xf32, #tpu.memory_space<hbm>> -> memref<200x128xf32, #tpu.memory_space<hbm>>
      %dma_start3A_736 = tpu.memref_slice %arg8[%dma_start3A_727] : memref<4x!tpu.dma_semaphore, #tpu.memory_space<semaphore_mem>> -> memref<1x!tpu.dma_semaphore, #tpu.memory_space<semaphore_mem>>
      %dma_start3A_737 = tpu.memref_squeeze %dma_start3A_736 : memref<1x!tpu.dma_semaphore, #tpu.memory_space<semaphore_mem>> -> memref<!tpu.dma_semaphore, #tpu.memory_space<semaphore_mem>>
      %dma_start3A_738 = arith.constant 0 : i32
      %dma_start3A_739 = arith.constant 0 : i32
      %dma_start3A_740 = tpu.memref_slice %arg4[%add3A_725, %dma_start3A_738, %dma_start3A_739] : memref<4096x200x128xf32, #tpu.memory_space<hbm>> -> memref<1x200x128xf32, #tpu.memory_space<hbm>>
      %dma_start3A_741 = tpu.memref_squeeze %dma_start3A_740 : memref<1x200x128xf32, #tpu.memory_space<hbm>> -> memref<200x128xf32, #tpu.memory_space<hbm>>
      %dma_start3A_742 = arith.constant 0 : i32
      %dma_start3A_743 = arith.constant 0 : i32
      %dma_start3A_744 = tpu.memref_slice %arg6[%dma_start3A_726, %dma_start3A_742, %dma_start3A_743] : memref<4x200x128xf32, #tpu.memory_space<vmem>> -> memref<1x200x128xf32, #tpu.memory_space<vmem>>
      %dma_start3A_745 = tpu.memref_squeeze %dma_start3A_744 : memref<1x200x128xf32, #tpu.memory_space<vmem>> -> memref<200x128xf32, #tpu.memory_space<vmem>>
      tpu.enqueue_dma source(%dma_start3A_745 : memref<200x128xf32, #tpu.memory_space<vmem>>) target(%dma_start3A_741 : memref<200x128xf32, #tpu.memory_space<hbm>>) target_semaphore(%dma_start3A_737 : memref<!tpu.dma_semaphore, #tpu.memory_space<semaphore_mem>>)
      %mul3A_746 = arith.constant 4 : i32
      %mul3A_747 = arith.muli %scan3A_568, %mul3A_746 : i32
      %add3A_748 = arith.constant 2 : i32
      %add3A_749 = arith.addi %mul3A_747, %add3A_748 : i32
      %dma_wait3A_750 = arith.constant 2 : i32
      %dma_wait3A_751 = arith.constant 2 : i32
      %dma_wait3A_752 = arith.constant 0 : i32
      %dma_wait3A_753 = arith.constant 0 : i32
      %dma_wait3A_754 = tpu.memref_slice %arg6[%dma_wait3A_750, %dma_wait3A_752, %dma_wait3A_753] : memref<4x200x128xf32, #tpu.memory_space<vmem>> -> memref<1x200x128xf32, #tpu.memory_space<vmem>>
      %dma_wait3A_755 = tpu.memref_squeeze %dma_wait3A_754 : memref<1x200x128xf32, #tpu.memory_space<vmem>> -> memref<200x128xf32, #tpu.memory_space<vmem>>
      %dma_wait3A_756 = arith.constant 0 : i32
      %dma_wait3A_757 = tpu.memref_slice %arg5[%dma_wait3A_756] : memref<25600xi32, #tpu.memory_space<vmem>> -> memref<200xi32, #tpu.memory_space<vmem>>
      %dma_wait3A_758 = arith.constant 0 : i32
      %dma_wait3A_759 = arith.constant 0 : i32
      %dma_wait3A_760 = tpu.memref_slice %arg3[%dma_wait3A_758, %dma_wait3A_759] : memref<1000000x128xf32, #tpu.memory_space<hbm>> -> memref<1000000x128xf32, #tpu.memory_space<hbm>>
      %dma_wait3A_761 = tpu.memref_slice %arg7[%dma_wait3A_751] : memref<4x!tpu.dma_semaphore, #tpu.memory_space<semaphore_mem>> -> memref<1x!tpu.dma_semaphore, #tpu.memory_space<semaphore_mem>>
      %dma_wait3A_762 = tpu.memref_squeeze %dma_wait3A_761 : memref<1x!tpu.dma_semaphore, #tpu.memory_space<semaphore_mem>> -> memref<!tpu.dma_semaphore, #tpu.memory_space<semaphore_mem>>
      tpu.wait_indirect_dma semaphore(%dma_wait3A_762 : memref<!tpu.dma_semaphore, #tpu.memory_space<semaphore_mem>>) src(%dma_wait3A_760 : memref<1000000x128xf32, #tpu.memory_space<hbm>>) dst(%dma_wait3A_755 : memref<200x128xf32, #tpu.memory_space<vmem>>)
      %add3A_763 = arith.constant 0 : i32
      %add3A_764 = arith.addi %mul3A_2, %add3A_763 : i32
      %dma_wait3A_765 = arith.constant 0 : i32
      %dma_wait3A_766 = arith.constant 0 : i32
      %dma_wait3A_767 = arith.constant 0 : i32
      %dma_wait3A_768 = arith.constant 0 : i32
      %dma_wait3A_769 = tpu.memref_slice %arg6[%dma_wait3A_765, %dma_wait3A_767, %dma_wait3A_768] : memref<4x200x128xf32, #tpu.memory_space<vmem>> -> memref<1x200x128xf32, #tpu.memory_space<vmem>>
      %dma_wait3A_770 = tpu.memref_squeeze %dma_wait3A_769 : memref<1x200x128xf32, #tpu.memory_space<vmem>> -> memref<200x128xf32, #tpu.memory_space<vmem>>
      %dma_wait3A_771 = arith.constant 0 : i32
      %dma_wait3A_772 = arith.constant 0 : i32
      %dma_wait3A_773 = tpu.memref_slice %arg4[%add3A_764, %dma_wait3A_771, %dma_wait3A_772] : memref<4096x200x128xf32, #tpu.memory_space<hbm>> -> memref<1x200x128xf32, #tpu.memory_space<hbm>>
      %dma_wait3A_774 = tpu.memref_squeeze %dma_wait3A_773 : memref<1x200x128xf32, #tpu.memory_space<hbm>> -> memref<200x128xf32, #tpu.memory_space<hbm>>
      %dma_wait3A_775 = tpu.memref_slice %arg8[%dma_wait3A_766] : memref<4x!tpu.dma_semaphore, #tpu.memory_space<semaphore_mem>> -> memref<1x!tpu.dma_semaphore, #tpu.memory_space<semaphore_mem>>
      %dma_wait3A_776 = tpu.memref_squeeze %dma_wait3A_775 : memref<1x!tpu.dma_semaphore, #tpu.memory_space<semaphore_mem>> -> memref<!tpu.dma_semaphore, #tpu.memory_space<semaphore_mem>>
      %dma_wait3A_777 = arith.constant 0 : i32
      %dma_wait3A_778 = arith.constant 0 : i32
      %dma_wait3A_779 = tpu.memref_slice %arg4[%add3A_764, %dma_wait3A_777, %dma_wait3A_778] : memref<4096x200x128xf32, #tpu.memory_space<hbm>> -> memref<1x200x128xf32, #tpu.memory_space<hbm>>
      %dma_wait3A_780 = tpu.memref_squeeze %dma_wait3A_779 : memref<1x200x128xf32, #tpu.memory_space<hbm>> -> memref<200x128xf32, #tpu.memory_space<hbm>>
      %dma_wait3A_781 = arith.constant 0 : i32
      %dma_wait3A_782 = arith.constant 0 : i32
      %dma_wait3A_783 = tpu.memref_slice %arg6[%dma_wait3A_765, %dma_wait3A_781, %dma_wait3A_782] : memref<4x200x128xf32, #tpu.memory_space<vmem>> -> memref<1x200x128xf32, #tpu.memory_space<vmem>>
      %dma_wait3A_784 = tpu.memref_squeeze %dma_wait3A_783 : memref<1x200x128xf32, #tpu.memory_space<vmem>> -> memref<200x128xf32, #tpu.memory_space<vmem>>
      tpu.wait_dma2 semaphore(%dma_wait3A_776 : memref<!tpu.dma_semaphore, #tpu.memory_space<semaphore_mem>>) src(%dma_wait3A_784 : memref<200x128xf32, #tpu.memory_space<vmem>>) dst(%dma_wait3A_780 : memref<200x128xf32, #tpu.memory_space<hbm>>)
      %add3A_785 = arith.constant 2 : i32
      %add3A_786 = arith.addi %add3A_749, %add3A_785 : i32
      %add3A_787 = arith.constant 2 : i32
      %add3A_788 = arith.addi %add3A_749, %add3A_787 : i32
      %jit3A_789 = arith.constant 4 : i32
      %eq3A_790 = arith.constant 0 : i32
      %eq3A_791 = arith.cmpi eq, %jit3A_789, %eq3A_790 : i32
      %jit3A_792 = arith.constant 1 : i32
      %select_n3A_793 = arith.select %eq3A_791, %jit3A_792, %jit3A_789 : i32
      %rem3A_794 = arith.remsi %add3A_788, %select_n3A_793 : i32
      %ne3A_795 = arith.constant 0 : i32
      %ne3A_796 = arith.cmpi ne, %rem3A_794, %ne3A_795 : i32
      %lt3A_797 = arith.constant 0 : i32
      %lt3A_798 = arith.cmpi slt, %rem3A_794, %lt3A_797 : i32
      %lt3A_799 = arith.constant 0 : i32
      %lt3A_800 = arith.cmpi slt, %select_n3A_793, %lt3A_799 : i32
      %ne3A_801 = arith.xori %lt3A_798, %lt3A_800 : i1
      %and3A_802 = arith.andi %ne3A_801, %ne3A_796 : i1
      %add3A_803 = arith.addi %rem3A_794, %select_n3A_793 : i32
      %select_n3A_804 = arith.select %and3A_802, %add3A_803, %rem3A_794 : i32
      %mul3A_805 = arith.constant 200 : i32
      %mul3A_806 = arith.muli %add3A_786, %mul3A_805 : i32
      %dma_start3A_807 = arith.constant 0 : i32
      %dma_start3A_808 = arith.constant 0 : i32
      %dma_start3A_809 = tpu.memref_slice %arg6[%select_n3A_804, %dma_start3A_807, %dma_start3A_808] : memref<4x200x128xf32, #tpu.memory_space<vmem>> -> memref<1x200x128xf32, #tpu.memory_space<vmem>>
      %dma_start3A_810 = tpu.memref_squeeze %dma_start3A_809 : memref<1x200x128xf32, #tpu.memory_space<vmem>> -> memref<200x128xf32, #tpu.memory_space<vmem>>
      %dma_start3A_811 = tpu.memref_slice %arg5[%mul3A_806] : memref<25600xi32, #tpu.memory_space<vmem>> -> memref<200xi32, #tpu.memory_space<vmem>>
      %dma_start3A_812 = arith.constant 0 : i32
      %dma_start3A_813 = arith.constant 0 : i32
      %dma_start3A_814 = tpu.memref_slice %arg3[%dma_start3A_812, %dma_start3A_813] : memref<1000000x128xf32, #tpu.memory_space<hbm>> -> memref<1000000x128xf32, #tpu.memory_space<hbm>>
      %dma_start3A_815 = tpu.memref_slice %arg7[%select_n3A_804] : memref<4x!tpu.dma_semaphore, #tpu.memory_space<semaphore_mem>> -> memref<1x!tpu.dma_semaphore, #tpu.memory_space<semaphore_mem>>
      %dma_start3A_816 = tpu.memref_squeeze %dma_start3A_815 : memref<1x!tpu.dma_semaphore, #tpu.memory_space<semaphore_mem>> -> memref<!tpu.dma_semaphore, #tpu.memory_space<semaphore_mem>>
      tpu.enqueue_indirect_dma source(%dma_start3A_814 : memref<1000000x128xf32, #tpu.memory_space<hbm>>) target(%dma_start3A_810 : memref<200x128xf32, #tpu.memory_space<vmem>>) offsets(%dma_start3A_811 : memref<200xi32, #tpu.memory_space<vmem>>) semaphore(%dma_start3A_816 : memref<!tpu.dma_semaphore, #tpu.memory_space<semaphore_mem>>)
      %add3A_817 = arith.addi %mul3A_2, %add3A_749 : i32
      %dma_start3A_818 = arith.constant 2 : i32
      %dma_start3A_819 = arith.constant 2 : i32
      %dma_start3A_820 = arith.constant 0 : i32
      %dma_start3A_821 = arith.constant 0 : i32
      %dma_start3A_822 = tpu.memref_slice %arg6[%dma_start3A_818, %dma_start3A_820, %dma_start3A_821] : memref<4x200x128xf32, #tpu.memory_space<vmem>> -> memref<1x200x128xf32, #tpu.memory_space<vmem>>
      %dma_start3A_823 = tpu.memref_squeeze %dma_start3A_822 : memref<1x200x128xf32, #tpu.memory_space<vmem>> -> memref<200x128xf32, #tpu.memory_space<vmem>>
      %dma_start3A_824 = arith.constant 0 : i32
      %dma_start3A_825 = arith.constant 0 : i32
      %dma_start3A_826 = tpu.memref_slice %arg4[%add3A_817, %dma_start3A_824, %dma_start3A_825] : memref<4096x200x128xf32, #tpu.memory_space<hbm>> -> memref<1x200x128xf32, #tpu.memory_space<hbm>>
      %dma_start3A_827 = tpu.memref_squeeze %dma_start3A_826 : memref<1x200x128xf32, #tpu.memory_space<hbm>> -> memref<200x128xf32, #tpu.memory_space<hbm>>
      %dma_start3A_828 = tpu.memref_slice %arg8[%dma_start3A_819] : memref<4x!tpu.dma_semaphore, #tpu.memory_space<semaphore_mem>> -> memref<1x!tpu.dma_semaphore, #tpu.memory_space<semaphore_mem>>
      %dma_start3A_829 = tpu.memref_squeeze %dma_start3A_828 : memref<1x!tpu.dma_semaphore, #tpu.memory_space<semaphore_mem>> -> memref<!tpu.dma_semaphore, #tpu.memory_space<semaphore_mem>>
      %dma_start3A_830 = arith.constant 0 : i32
      %dma_start3A_831 = arith.constant 0 : i32
      %dma_start3A_832 = tpu.memref_slice %arg4[%add3A_817, %dma_start3A_830, %dma_start3A_831] : memref<4096x200x128xf32, #tpu.memory_space<hbm>> -> memref<1x200x128xf32, #tpu.memory_space<hbm>>
      %dma_start3A_833 = tpu.memref_squeeze %dma_start3A_832 : memref<1x200x128xf32, #tpu.memory_space<hbm>> -> memref<200x128xf32, #tpu.memory_space<hbm>>
      %dma_start3A_834 = arith.constant 0 : i32
      %dma_start3A_835 = arith.constant 0 : i32
      %dma_start3A_836 = tpu.memref_slice %arg6[%dma_start3A_818, %dma_start3A_834, %dma_start3A_835] : memref<4x200x128xf32, #tpu.memory_space<vmem>> -> memref<1x200x128xf32, #tpu.memory_space<vmem>>
      %dma_start3A_837 = tpu.memref_squeeze %dma_start3A_836 : memref<1x200x128xf32, #tpu.memory_space<vmem>> -> memref<200x128xf32, #tpu.memory_space<vmem>>
      tpu.enqueue_dma source(%dma_start3A_837 : memref<200x128xf32, #tpu.memory_space<vmem>>) target(%dma_start3A_833 : memref<200x128xf32, #tpu.memory_space<hbm>>) target_semaphore(%dma_start3A_829 : memref<!tpu.dma_semaphore, #tpu.memory_space<semaphore_mem>>)
      %mul3A_838 = arith.constant 4 : i32
      %mul3A_839 = arith.muli %scan3A_568, %mul3A_838 : i32
      %add3A_840 = arith.constant 3 : i32
      %add3A_841 = arith.addi %mul3A_839, %add3A_840 : i32
      %dma_wait3A_842 = arith.constant 3 : i32
      %dma_wait3A_843 = arith.constant 3 : i32
      %dma_wait3A_844 = arith.constant 0 : i32
      %dma_wait3A_845 = arith.constant 0 : i32
      %dma_wait3A_846 = tpu.memref_slice %arg6[%dma_wait3A_842, %dma_wait3A_844, %dma_wait3A_845] : memref<4x200x128xf32, #tpu.memory_space<vmem>> -> memref<1x200x128xf32, #tpu.memory_space<vmem>>
      %dma_wait3A_847 = tpu.memref_squeeze %dma_wait3A_846 : memref<1x200x128xf32, #tpu.memory_space<vmem>> -> memref<200x128xf32, #tpu.memory_space<vmem>>
      %dma_wait3A_848 = arith.constant 0 : i32
      %dma_wait3A_849 = tpu.memref_slice %arg5[%dma_wait3A_848] : memref<25600xi32, #tpu.memory_space<vmem>> -> memref<200xi32, #tpu.memory_space<vmem>>
      %dma_wait3A_850 = arith.constant 0 : i32
      %dma_wait3A_851 = arith.constant 0 : i32
      %dma_wait3A_852 = tpu.memref_slice %arg3[%dma_wait3A_850, %dma_wait3A_851] : memref<1000000x128xf32, #tpu.memory_space<hbm>> -> memref<1000000x128xf32, #tpu.memory_space<hbm>>
      %dma_wait3A_853 = tpu.memref_slice %arg7[%dma_wait3A_843] : memref<4x!tpu.dma_semaphore, #tpu.memory_space<semaphore_mem>> -> memref<1x!tpu.dma_semaphore, #tpu.memory_space<semaphore_mem>>
      %dma_wait3A_854 = tpu.memref_squeeze %dma_wait3A_853 : memref<1x!tpu.dma_semaphore, #tpu.memory_space<semaphore_mem>> -> memref<!tpu.dma_semaphore, #tpu.memory_space<semaphore_mem>>
      tpu.wait_indirect_dma semaphore(%dma_wait3A_854 : memref<!tpu.dma_semaphore, #tpu.memory_space<semaphore_mem>>) src(%dma_wait3A_852 : memref<1000000x128xf32, #tpu.memory_space<hbm>>) dst(%dma_wait3A_847 : memref<200x128xf32, #tpu.memory_space<vmem>>)
      %add3A_855 = arith.constant 0 : i32
      %add3A_856 = arith.addi %mul3A_2, %add3A_855 : i32
      %dma_wait3A_857 = arith.constant 1 : i32
      %dma_wait3A_858 = arith.constant 1 : i32
      %dma_wait3A_859 = arith.constant 0 : i32
      %dma_wait3A_860 = arith.constant 0 : i32
      %dma_wait3A_861 = tpu.memref_slice %arg6[%dma_wait3A_857, %dma_wait3A_859, %dma_wait3A_860] : memref<4x200x128xf32, #tpu.memory_space<vmem>> -> memref<1x200x128xf32, #tpu.memory_space<vmem>>
      %dma_wait3A_862 = tpu.memref_squeeze %dma_wait3A_861 : memref<1x200x128xf32, #tpu.memory_space<vmem>> -> memref<200x128xf32, #tpu.memory_space<vmem>>
      %dma_wait3A_863 = arith.constant 0 : i32
      %dma_wait3A_864 = arith.constant 0 : i32
      %dma_wait3A_865 = tpu.memref_slice %arg4[%add3A_856, %dma_wait3A_863, %dma_wait3A_864] : memref<4096x200x128xf32, #tpu.memory_space<hbm>> -> memref<1x200x128xf32, #tpu.memory_space<hbm>>
      %dma_wait3A_866 = tpu.memref_squeeze %dma_wait3A_865 : memref<1x200x128xf32, #tpu.memory_space<hbm>> -> memref<200x128xf32, #tpu.memory_space<hbm>>
      %dma_wait3A_867 = tpu.memref_slice %arg8[%dma_wait3A_858] : memref<4x!tpu.dma_semaphore, #tpu.memory_space<semaphore_mem>> -> memref<1x!tpu.dma_semaphore, #tpu.memory_space<semaphore_mem>>
      %dma_wait3A_868 = tpu.memref_squeeze %dma_wait3A_867 : memref<1x!tpu.dma_semaphore, #tpu.memory_space<semaphore_mem>> -> memref<!tpu.dma_semaphore, #tpu.memory_space<semaphore_mem>>
      %dma_wait3A_869 = arith.constant 0 : i32
      %dma_wait3A_870 = arith.constant 0 : i32
      %dma_wait3A_871 = tpu.memref_slice %arg4[%add3A_856, %dma_wait3A_869, %dma_wait3A_870] : memref<4096x200x128xf32, #tpu.memory_space<hbm>> -> memref<1x200x128xf32, #tpu.memory_space<hbm>>
      %dma_wait3A_872 = tpu.memref_squeeze %dma_wait3A_871 : memref<1x200x128xf32, #tpu.memory_space<hbm>> -> memref<200x128xf32, #tpu.memory_space<hbm>>
      %dma_wait3A_873 = arith.constant 0 : i32
      %dma_wait3A_874 = arith.constant 0 : i32
      %dma_wait3A_875 = tpu.memref_slice %arg6[%dma_wait3A_857, %dma_wait3A_873, %dma_wait3A_874] : memref<4x200x128xf32, #tpu.memory_space<vmem>> -> memref<1x200x128xf32, #tpu.memory_space<vmem>>
      %dma_wait3A_876 = tpu.memref_squeeze %dma_wait3A_875 : memref<1x200x128xf32, #tpu.memory_space<vmem>> -> memref<200x128xf32, #tpu.memory_space<vmem>>
      tpu.wait_dma2 semaphore(%dma_wait3A_868 : memref<!tpu.dma_semaphore, #tpu.memory_space<semaphore_mem>>) src(%dma_wait3A_876 : memref<200x128xf32, #tpu.memory_space<vmem>>) dst(%dma_wait3A_872 : memref<200x128xf32, #tpu.memory_space<hbm>>)
      %add3A_877 = arith.constant 2 : i32
      %add3A_878 = arith.addi %add3A_841, %add3A_877 : i32
      %add3A_879 = arith.constant 2 : i32
      %add3A_880 = arith.addi %add3A_841, %add3A_879 : i32
      %jit3A_881 = arith.constant 4 : i32
      %eq3A_882 = arith.constant 0 : i32
      %eq3A_883 = arith.cmpi eq, %jit3A_881, %eq3A_882 : i32
      %jit3A_884 = arith.constant 1 : i32
      %select_n3A_885 = arith.select %eq3A_883, %jit3A_884, %jit3A_881 : i32
      %rem3A_886 = arith.remsi %add3A_880, %select_n3A_885 : i32
      %ne3A_887 = arith.constant 0 : i32
      %ne3A_888 = arith.cmpi ne, %rem3A_886, %ne3A_887 : i32
      %lt3A_889 = arith.constant 0 : i32
      %lt3A_890 = arith.cmpi slt, %rem3A_886, %lt3A_889 : i32
      %lt3A_891 = arith.constant 0 : i32
      %lt3A_892 = arith.cmpi slt, %select_n3A_885, %lt3A_891 : i32
      %ne3A_893 = arith.xori %lt3A_890, %lt3A_892 : i1
      %and3A_894 = arith.andi %ne3A_893, %ne3A_888 : i1
      %add3A_895 = arith.addi %rem3A_886, %select_n3A_885 : i32
      %select_n3A_896 = arith.select %and3A_894, %add3A_895, %rem3A_886 : i32
      %mul3A_897 = arith.constant 200 : i32
      %mul3A_898 = arith.muli %add3A_878, %mul3A_897 : i32
      %dma_start3A_899 = arith.constant 0 : i32
      %dma_start3A_900 = arith.constant 0 : i32
      %dma_start3A_901 = tpu.memref_slice %arg6[%select_n3A_896, %dma_start3A_899, %dma_start3A_900] : memref<4x200x128xf32, #tpu.memory_space<vmem>> -> memref<1x200x128xf32, #tpu.memory_space<vmem>>
      %dma_start3A_902 = tpu.memref_squeeze %dma_start3A_901 : memref<1x200x128xf32, #tpu.memory_space<vmem>> -> memref<200x128xf32, #tpu.memory_space<vmem>>
      %dma_start3A_903 = tpu.memref_slice %arg5[%mul3A_898] : memref<25600xi32, #tpu.memory_space<vmem>> -> memref<200xi32, #tpu.memory_space<vmem>>
      %dma_start3A_904 = arith.constant 0 : i32
      %dma_start3A_905 = arith.constant 0 : i32
      %dma_start3A_906 = tpu.memref_slice %arg3[%dma_start3A_904, %dma_start3A_905] : memref<1000000x128xf32, #tpu.memory_space<hbm>> -> memref<1000000x128xf32, #tpu.memory_space<hbm>>
      %dma_start3A_907 = tpu.memref_slice %arg7[%select_n3A_896] : memref<4x!tpu.dma_semaphore, #tpu.memory_space<semaphore_mem>> -> memref<1x!tpu.dma_semaphore, #tpu.memory_space<semaphore_mem>>
      %dma_start3A_908 = tpu.memref_squeeze %dma_start3A_907 : memref<1x!tpu.dma_semaphore, #tpu.memory_space<semaphore_mem>> -> memref<!tpu.dma_semaphore, #tpu.memory_space<semaphore_mem>>
      tpu.enqueue_indirect_dma source(%dma_start3A_906 : memref<1000000x128xf32, #tpu.memory_space<hbm>>) target(%dma_start3A_902 : memref<200x128xf32, #tpu.memory_space<vmem>>) offsets(%dma_start3A_903 : memref<200xi32, #tpu.memory_space<vmem>>) semaphore(%dma_start3A_908 : memref<!tpu.dma_semaphore, #tpu.memory_space<semaphore_mem>>)
      %add3A_909 = arith.addi %mul3A_2, %add3A_841 : i32
      %dma_start3A_910 = arith.constant 3 : i32
      %dma_start3A_911 = arith.constant 3 : i32
      %dma_start3A_912 = arith.constant 0 : i32
      %dma_start3A_913 = arith.constant 0 : i32
      %dma_start3A_914 = tpu.memref_slice %arg6[%dma_start3A_910, %dma_start3A_912, %dma_start3A_913] : memref<4x200x128xf32, #tpu.memory_space<vmem>> -> memref<1x200x128xf32, #tpu.memory_space<vmem>>
      %dma_start3A_915 = tpu.memref_squeeze %dma_start3A_914 : memref<1x200x128xf32, #tpu.memory_space<vmem>> -> memref<200x128xf32, #tpu.memory_space<vmem>>
      %dma_start3A_916 = arith.constant 0 : i32
      %dma_start3A_917 = arith.constant 0 : i32
      %dma_start3A_918 = tpu.memref_slice %arg4[%add3A_909, %dma_start3A_916, %dma_start3A_917] : memref<4096x200x128xf32, #tpu.memory_space<hbm>> -> memref<1x200x128xf32, #tpu.memory_space<hbm>>
      %dma_start3A_919 = tpu.memref_squeeze %dma_start3A_918 : memref<1x200x128xf32, #tpu.memory_space<hbm>> -> memref<200x128xf32, #tpu.memory_space<hbm>>
      %dma_start3A_920 = tpu.memref_slice %arg8[%dma_start3A_911] : memref<4x!tpu.dma_semaphore, #tpu.memory_space<semaphore_mem>> -> memref<1x!tpu.dma_semaphore, #tpu.memory_space<semaphore_mem>>
      %dma_start3A_921 = tpu.memref_squeeze %dma_start3A_920 : memref<1x!tpu.dma_semaphore, #tpu.memory_space<semaphore_mem>> -> memref<!tpu.dma_semaphore, #tpu.memory_space<semaphore_mem>>
      %dma_start3A_922 = arith.constant 0 : i32
      %dma_start3A_923 = arith.constant 0 : i32
      %dma_start3A_924 = tpu.memref_slice %arg4[%add3A_909, %dma_start3A_922, %dma_start3A_923] : memref<4096x200x128xf32, #tpu.memory_space<hbm>> -> memref<1x200x128xf32, #tpu.memory_space<hbm>>
      %dma_start3A_925 = tpu.memref_squeeze %dma_start3A_924 : memref<1x200x128xf32, #tpu.memory_space<hbm>> -> memref<200x128xf32, #tpu.memory_space<hbm>>
      %dma_start3A_926 = arith.constant 0 : i32
      %dma_start3A_927 = arith.constant 0 : i32
      %dma_start3A_928 = tpu.memref_slice %arg6[%dma_start3A_910, %dma_start3A_926, %dma_start3A_927] : memref<4x200x128xf32, #tpu.memory_space<vmem>> -> memref<1x200x128xf32, #tpu.memory_space<vmem>>
      %dma_start3A_929 = tpu.memref_squeeze %dma_start3A_928 : memref<1x200x128xf32, #tpu.memory_space<vmem>> -> memref<200x128xf32, #tpu.memory_space<vmem>>
      tpu.enqueue_dma source(%dma_start3A_929 : memref<200x128xf32, #tpu.memory_space<vmem>>) target(%dma_start3A_925 : memref<200x128xf32, #tpu.memory_space<hbm>>) target_semaphore(%dma_start3A_921 : memref<!tpu.dma_semaphore, #tpu.memory_space<semaphore_mem>>)
    }
    %scan3A_269 = arith.constant 30 : i32
    %dma_wait3A_270 = arith.constant 0 : i32
    %dma_wait3A_271 = arith.constant 0 : i32
    %dma_wait3A_272 = arith.constant 0 : i32
    %dma_wait3A_273 = arith.constant 0 : i32
    %dma_wait3A_274 = tpu.memref_slice %arg6[%dma_wait3A_270, %dma_wait3A_272, %dma_wait3A_273] : memref<4x200x128xf32, #tpu.memory_space<vmem>> -> memref<1x200x128xf32, #tpu.memory_space<vmem>>
    %dma_wait3A_275 = tpu.memref_squeeze %dma_wait3A_274 : memref<1x200x128xf32, #tpu.memory_space<vmem>> -> memref<200x128xf32, #tpu.memory_space<vmem>>
    %dma_wait3A_276 = arith.constant 24800 : i32
    %dma_wait3A_277 = tpu.memref_slice %arg5[%dma_wait3A_276] : memref<25600xi32, #tpu.memory_space<vmem>> -> memref<200xi32, #tpu.memory_space<vmem>>
    %dma_wait3A_278 = arith.constant 0 : i32
    %dma_wait3A_279 = arith.constant 0 : i32
    %dma_wait3A_280 = tpu.memref_slice %arg3[%dma_wait3A_278, %dma_wait3A_279] : memref<1000000x128xf32, #tpu.memory_space<hbm>> -> memref<1000000x128xf32, #tpu.memory_space<hbm>>
    %dma_wait3A_281 = tpu.memref_slice %arg7[%dma_wait3A_271] : memref<4x!tpu.dma_semaphore, #tpu.memory_space<semaphore_mem>> -> memref<1x!tpu.dma_semaphore, #tpu.memory_space<semaphore_mem>>
    %dma_wait3A_282 = tpu.memref_squeeze %dma_wait3A_281 : memref<1x!tpu.dma_semaphore, #tpu.memory_space<semaphore_mem>> -> memref<!tpu.dma_semaphore, #tpu.memory_space<semaphore_mem>>
    tpu.wait_indirect_dma semaphore(%dma_wait3A_282 : memref<!tpu.dma_semaphore, #tpu.memory_space<semaphore_mem>>) src(%dma_wait3A_280 : memref<1000000x128xf32, #tpu.memory_space<hbm>>) dst(%dma_wait3A_275 : memref<200x128xf32, #tpu.memory_space<vmem>>)
    %add3A_283 = arith.constant 0 : i32
    %add3A_284 = arith.addi %mul3A_2, %add3A_283 : i32
    %dma_wait3A_285 = arith.constant 2 : i32
    %dma_wait3A_286 = arith.constant 2 : i32
    %dma_wait3A_287 = arith.constant 0 : i32
    %dma_wait3A_288 = arith.constant 0 : i32
    %dma_wait3A_289 = tpu.memref_slice %arg6[%dma_wait3A_285, %dma_wait3A_287, %dma_wait3A_288] : memref<4x200x128xf32, #tpu.memory_space<vmem>> -> memref<1x200x128xf32, #tpu.memory_space<vmem>>
    %dma_wait3A_290 = tpu.memref_squeeze %dma_wait3A_289 : memref<1x200x128xf32, #tpu.memory_space<vmem>> -> memref<200x128xf32, #tpu.memory_space<vmem>>
    %dma_wait3A_291 = arith.constant 0 : i32
    %dma_wait3A_292 = arith.constant 0 : i32
    %dma_wait3A_293 = tpu.memref_slice %arg4[%add3A_284, %dma_wait3A_291, %dma_wait3A_292] : memref<4096x200x128xf32, #tpu.memory_space<hbm>> -> memref<1x200x128xf32, #tpu.memory_space<hbm>>
    %dma_wait3A_294 = tpu.memref_squeeze %dma_wait3A_293 : memref<1x200x128xf32, #tpu.memory_space<hbm>> -> memref<200x128xf32, #tpu.memory_space<hbm>>
    %dma_wait3A_295 = tpu.memref_slice %arg8[%dma_wait3A_286] : memref<4x!tpu.dma_semaphore, #tpu.memory_space<semaphore_mem>> -> memref<1x!tpu.dma_semaphore, #tpu.memory_space<semaphore_mem>>
    %dma_wait3A_296 = tpu.memref_squeeze %dma_wait3A_295 : memref<1x!tpu.dma_semaphore, #tpu.memory_space<semaphore_mem>> -> memref<!tpu.dma_semaphore, #tpu.memory_space<semaphore_mem>>
    %dma_wait3A_297 = arith.constant 0 : i32
    %dma_wait3A_298 = arith.constant 0 : i32
    %dma_wait3A_299 = tpu.memref_slice %arg4[%add3A_284, %dma_wait3A_297, %dma_wait3A_298] : memref<4096x200x128xf32, #tpu.memory_space<hbm>> -> memref<1x200x128xf32, #tpu.memory_space<hbm>>
    %dma_wait3A_300 = tpu.memref_squeeze %dma_wait3A_299 : memref<1x200x128xf32, #tpu.memory_space<hbm>> -> memref<200x128xf32, #tpu.memory_space<hbm>>
    %dma_wait3A_301 = arith.constant 0 : i32
    %dma_wait3A_302 = arith.constant 0 : i32
    %dma_wait3A_303 = tpu.memref_slice %arg6[%dma_wait3A_285, %dma_wait3A_301, %dma_wait3A_302] : memref<4x200x128xf32, #tpu.memory_space<vmem>> -> memref<1x200x128xf32, #tpu.memory_space<vmem>>
    %dma_wait3A_304 = tpu.memref_squeeze %dma_wait3A_303 : memref<1x200x128xf32, #tpu.memory_space<vmem>> -> memref<200x128xf32, #tpu.memory_space<vmem>>
    tpu.wait_dma2 semaphore(%dma_wait3A_296 : memref<!tpu.dma_semaphore, #tpu.memory_space<semaphore_mem>>) src(%dma_wait3A_304 : memref<200x128xf32, #tpu.memory_space<vmem>>) dst(%dma_wait3A_300 : memref<200x128xf32, #tpu.memory_space<hbm>>)
    %dma_start3A_305 = arith.constant 2 : i32
    %dma_start3A_306 = arith.constant 2 : i32
    %dma_start3A_307 = arith.constant 0 : i32
    %dma_start3A_308 = arith.constant 0 : i32
    %dma_start3A_309 = tpu.memref_slice %arg6[%dma_start3A_305, %dma_start3A_307, %dma_start3A_308] : memref<4x200x128xf32, #tpu.memory_space<vmem>> -> memref<1x200x128xf32, #tpu.memory_space<vmem>>
    %dma_start3A_310 = tpu.memref_squeeze %dma_start3A_309 : memref<1x200x128xf32, #tpu.memory_space<vmem>> -> memref<200x128xf32, #tpu.memory_space<vmem>>
    %dma_start3A_311 = arith.constant 25200 : i32
    %dma_start3A_312 = tpu.memref_slice %arg5[%dma_start3A_311] : memref<25600xi32, #tpu.memory_space<vmem>> -> memref<200xi32, #tpu.memory_space<vmem>>
    %dma_start3A_313 = arith.constant 0 : i32
    %dma_start3A_314 = arith.constant 0 : i32
    %dma_start3A_315 = tpu.memref_slice %arg3[%dma_start3A_313, %dma_start3A_314] : memref<1000000x128xf32, #tpu.memory_space<hbm>> -> memref<1000000x128xf32, #tpu.memory_space<hbm>>
    %dma_start3A_316 = tpu.memref_slice %arg7[%dma_start3A_306] : memref<4x!tpu.dma_semaphore, #tpu.memory_space<semaphore_mem>> -> memref<1x!tpu.dma_semaphore, #tpu.memory_space<semaphore_mem>>
    %dma_start3A_317 = tpu.memref_squeeze %dma_start3A_316 : memref<1x!tpu.dma_semaphore, #tpu.memory_space<semaphore_mem>> -> memref<!tpu.dma_semaphore, #tpu.memory_space<semaphore_mem>>
    tpu.enqueue_indirect_dma source(%dma_start3A_315 : memref<1000000x128xf32, #tpu.memory_space<hbm>>) target(%dma_start3A_310 : memref<200x128xf32, #tpu.memory_space<vmem>>) offsets(%dma_start3A_312 : memref<200xi32, #tpu.memory_space<vmem>>) semaphore(%dma_start3A_317 : memref<!tpu.dma_semaphore, #tpu.memory_space<semaphore_mem>>)
    %add3A_318 = arith.constant 124 : i32
    %add3A_319 = arith.addi %mul3A_2, %add3A_318 : i32
    %dma_start3A_320 = arith.constant 0 : i32
    %dma_start3A_321 = arith.constant 0 : i32
    %dma_start3A_322 = arith.constant 0 : i32
    %dma_start3A_323 = arith.constant 0 : i32
    %dma_start3A_324 = tpu.memref_slice %arg6[%dma_start3A_320, %dma_start3A_322, %dma_start3A_323] : memref<4x200x128xf32, #tpu.memory_space<vmem>> -> memref<1x200x128xf32, #tpu.memory_space<vmem>>
    %dma_start3A_325 = tpu.memref_squeeze %dma_start3A_324 : memref<1x200x128xf32, #tpu.memory_space<vmem>> -> memref<200x128xf32, #tpu.memory_space<vmem>>
    %dma_start3A_326 = arith.constant 0 : i32
    %dma_start3A_327 = arith.constant 0 : i32
    %dma_start3A_328 = tpu.memref_slice %arg4[%add3A_319, %dma_start3A_326, %dma_start3A_327] : memref<4096x200x128xf32, #tpu.memory_space<hbm>> -> memref<1x200x128xf32, #tpu.memory_space<hbm>>
    %dma_start3A_329 = tpu.memref_squeeze %dma_start3A_328 : memref<1x200x128xf32, #tpu.memory_space<hbm>> -> memref<200x128xf32, #tpu.memory_space<hbm>>
    %dma_start3A_330 = tpu.memref_slice %arg8[%dma_start3A_321] : memref<4x!tpu.dma_semaphore, #tpu.memory_space<semaphore_mem>> -> memref<1x!tpu.dma_semaphore, #tpu.memory_space<semaphore_mem>>
    %dma_start3A_331 = tpu.memref_squeeze %dma_start3A_330 : memref<1x!tpu.dma_semaphore, #tpu.memory_space<semaphore_mem>> -> memref<!tpu.dma_semaphore, #tpu.memory_space<semaphore_mem>>
    %dma_start3A_332 = arith.constant 0 : i32
    %dma_start3A_333 = arith.constant 0 : i32
    %dma_start3A_334 = tpu.memref_slice %arg4[%add3A_319, %dma_start3A_332, %dma_start3A_333] : memref<4096x200x128xf32, #tpu.memory_space<hbm>> -> memref<1x200x128xf32, #tpu.memory_space<hbm>>
    %dma_start3A_335 = tpu.memref_squeeze %dma_start3A_334 : memref<1x200x128xf32, #tpu.memory_space<hbm>> -> memref<200x128xf32, #tpu.memory_space<hbm>>
    %dma_start3A_336 = arith.constant 0 : i32
    %dma_start3A_337 = arith.constant 0 : i32
    %dma_start3A_338 = tpu.memref_slice %arg6[%dma_start3A_320, %dma_start3A_336, %dma_start3A_337] : memref<4x200x128xf32, #tpu.memory_space<vmem>> -> memref<1x200x128xf32, #tpu.memory_space<vmem>>
    %dma_start3A_339 = tpu.memref_squeeze %dma_start3A_338 : memref<1x200x128xf32, #tpu.memory_space<vmem>> -> memref<200x128xf32, #tpu.memory_space<vmem>>
    tpu.enqueue_dma source(%dma_start3A_339 : memref<200x128xf32, #tpu.memory_space<vmem>>) target(%dma_start3A_335 : memref<200x128xf32, #tpu.memory_space<hbm>>) target_semaphore(%dma_start3A_331 : memref<!tpu.dma_semaphore, #tpu.memory_space<semaphore_mem>>)
    %dma_wait3A_340 = arith.constant 1 : i32
    %dma_wait3A_341 = arith.constant 1 : i32
    %dma_wait3A_342 = arith.constant 0 : i32
    %dma_wait3A_343 = arith.constant 0 : i32
    %dma_wait3A_344 = tpu.memref_slice %arg6[%dma_wait3A_340, %dma_wait3A_342, %dma_wait3A_343] : memref<4x200x128xf32, #tpu.memory_space<vmem>> -> memref<1x200x128xf32, #tpu.memory_space<vmem>>
    %dma_wait3A_345 = tpu.memref_squeeze %dma_wait3A_344 : memref<1x200x128xf32, #tpu.memory_space<vmem>> -> memref<200x128xf32, #tpu.memory_space<vmem>>
    %dma_wait3A_346 = arith.constant 25000 : i32
    %dma_wait3A_347 = tpu.memref_slice %arg5[%dma_wait3A_346] : memref<25600xi32, #tpu.memory_space<vmem>> -> memref<200xi32, #tpu.memory_space<vmem>>
    %dma_wait3A_348 = arith.constant 0 : i32
    %dma_wait3A_349 = arith.constant 0 : i32
    %dma_wait3A_350 = tpu.memref_slice %arg3[%dma_wait3A_348, %dma_wait3A_349] : memref<1000000x128xf32, #tpu.memory_space<hbm>> -> memref<1000000x128xf32, #tpu.memory_space<hbm>>
    %dma_wait3A_351 = tpu.memref_slice %arg7[%dma_wait3A_341] : memref<4x!tpu.dma_semaphore, #tpu.memory_space<semaphore_mem>> -> memref<1x!tpu.dma_semaphore, #tpu.memory_space<semaphore_mem>>
    %dma_wait3A_352 = tpu.memref_squeeze %dma_wait3A_351 : memref<1x!tpu.dma_semaphore, #tpu.memory_space<semaphore_mem>> -> memref<!tpu.dma_semaphore, #tpu.memory_space<semaphore_mem>>
    tpu.wait_indirect_dma semaphore(%dma_wait3A_352 : memref<!tpu.dma_semaphore, #tpu.memory_space<semaphore_mem>>) src(%dma_wait3A_350 : memref<1000000x128xf32, #tpu.memory_space<hbm>>) dst(%dma_wait3A_345 : memref<200x128xf32, #tpu.memory_space<vmem>>)
    %add3A_353 = arith.constant 0 : i32
    %add3A_354 = arith.addi %mul3A_2, %add3A_353 : i32
    %dma_wait3A_355 = arith.constant 3 : i32
    %dma_wait3A_356 = arith.constant 3 : i32
    %dma_wait3A_357 = arith.constant 0 : i32
    %dma_wait3A_358 = arith.constant 0 : i32
    %dma_wait3A_359 = tpu.memref_slice %arg6[%dma_wait3A_355, %dma_wait3A_357, %dma_wait3A_358] : memref<4x200x128xf32, #tpu.memory_space<vmem>> -> memref<1x200x128xf32, #tpu.memory_space<vmem>>
    %dma_wait3A_360 = tpu.memref_squeeze %dma_wait3A_359 : memref<1x200x128xf32, #tpu.memory_space<vmem>> -> memref<200x128xf32, #tpu.memory_space<vmem>>
    %dma_wait3A_361 = arith.constant 0 : i32
    %dma_wait3A_362 = arith.constant 0 : i32
    %dma_wait3A_363 = tpu.memref_slice %arg4[%add3A_354, %dma_wait3A_361, %dma_wait3A_362] : memref<4096x200x128xf32, #tpu.memory_space<hbm>> -> memref<1x200x128xf32, #tpu.memory_space<hbm>>
    %dma_wait3A_364 = tpu.memref_squeeze %dma_wait3A_363 : memref<1x200x128xf32, #tpu.memory_space<hbm>> -> memref<200x128xf32, #tpu.memory_space<hbm>>
    %dma_wait3A_365 = tpu.memref_slice %arg8[%dma_wait3A_356] : memref<4x!tpu.dma_semaphore, #tpu.memory_space<semaphore_mem>> -> memref<1x!tpu.dma_semaphore, #tpu.memory_space<semaphore_mem>>
    %dma_wait3A_366 = tpu.memref_squeeze %dma_wait3A_365 : memref<1x!tpu.dma_semaphore, #tpu.memory_space<semaphore_mem>> -> memref<!tpu.dma_semaphore, #tpu.memory_space<semaphore_mem>>
    %dma_wait3A_367 = arith.constant 0 : i32
    %dma_wait3A_368 = arith.constant 0 : i32
    %dma_wait3A_369 = tpu.memref_slice %arg4[%add3A_354, %dma_wait3A_367, %dma_wait3A_368] : memref<4096x200x128xf32, #tpu.memory_space<hbm>> -> memref<1x200x128xf32, #tpu.memory_space<hbm>>
    %dma_wait3A_370 = tpu.memref_squeeze %dma_wait3A_369 : memref<1x200x128xf32, #tpu.memory_space<hbm>> -> memref<200x128xf32, #tpu.memory_space<hbm>>
    %dma_wait3A_371 = arith.constant 0 : i32
    %dma_wait3A_372 = arith.constant 0 : i32
    %dma_wait3A_373 = tpu.memref_slice %arg6[%dma_wait3A_355, %dma_wait3A_371, %dma_wait3A_372] : memref<4x200x128xf32, #tpu.memory_space<vmem>> -> memref<1x200x128xf32, #tpu.memory_space<vmem>>
    %dma_wait3A_374 = tpu.memref_squeeze %dma_wait3A_373 : memref<1x200x128xf32, #tpu.memory_space<vmem>> -> memref<200x128xf32, #tpu.memory_space<vmem>>
    tpu.wait_dma2 semaphore(%dma_wait3A_366 : memref<!tpu.dma_semaphore, #tpu.memory_space<semaphore_mem>>) src(%dma_wait3A_374 : memref<200x128xf32, #tpu.memory_space<vmem>>) dst(%dma_wait3A_370 : memref<200x128xf32, #tpu.memory_space<hbm>>)
    %dma_start3A_375 = arith.constant 3 : i32
    %dma_start3A_376 = arith.constant 3 : i32
    %dma_start3A_377 = arith.constant 0 : i32
    %dma_start3A_378 = arith.constant 0 : i32
    %dma_start3A_379 = tpu.memref_slice %arg6[%dma_start3A_375, %dma_start3A_377, %dma_start3A_378] : memref<4x200x128xf32, #tpu.memory_space<vmem>> -> memref<1x200x128xf32, #tpu.memory_space<vmem>>
    %dma_start3A_380 = tpu.memref_squeeze %dma_start3A_379 : memref<1x200x128xf32, #tpu.memory_space<vmem>> -> memref<200x128xf32, #tpu.memory_space<vmem>>
    %dma_start3A_381 = arith.constant 25400 : i32
    %dma_start3A_382 = tpu.memref_slice %arg5[%dma_start3A_381] : memref<25600xi32, #tpu.memory_space<vmem>> -> memref<200xi32, #tpu.memory_space<vmem>>
    %dma_start3A_383 = arith.constant 0 : i32
    %dma_start3A_384 = arith.constant 0 : i32
    %dma_start3A_385 = tpu.memref_slice %arg3[%dma_start3A_383, %dma_start3A_384] : memref<1000000x128xf32, #tpu.memory_space<hbm>> -> memref<1000000x128xf32, #tpu.memory_space<hbm>>
    %dma_start3A_386 = tpu.memref_slice %arg7[%dma_start3A_376] : memref<4x!tpu.dma_semaphore, #tpu.memory_space<semaphore_mem>> -> memref<1x!tpu.dma_semaphore, #tpu.memory_space<semaphore_mem>>
    %dma_start3A_387 = tpu.memref_squeeze %dma_start3A_386 : memref<1x!tpu.dma_semaphore, #tpu.memory_space<semaphore_mem>> -> memref<!tpu.dma_semaphore, #tpu.memory_space<semaphore_mem>>
    tpu.enqueue_indirect_dma source(%dma_start3A_385 : memref<1000000x128xf32, #tpu.memory_space<hbm>>) target(%dma_start3A_380 : memref<200x128xf32, #tpu.memory_space<vmem>>) offsets(%dma_start3A_382 : memref<200xi32, #tpu.memory_space<vmem>>) semaphore(%dma_start3A_387 : memref<!tpu.dma_semaphore, #tpu.memory_space<semaphore_mem>>)
    %add3A_388 = arith.constant 125 : i32
    %add3A_389 = arith.addi %mul3A_2, %add3A_388 : i32
    %dma_start3A_390 = arith.constant 1 : i32
    %dma_start3A_391 = arith.constant 1 : i32
    %dma_start3A_392 = arith.constant 0 : i32
    %dma_start3A_393 = arith.constant 0 : i32
    %dma_start3A_394 = tpu.memref_slice %arg6[%dma_start3A_390, %dma_start3A_392, %dma_start3A_393] : memref<4x200x128xf32, #tpu.memory_space<vmem>> -> memref<1x200x128xf32, #tpu.memory_space<vmem>>
    %dma_start3A_395 = tpu.memref_squeeze %dma_start3A_394 : memref<1x200x128xf32, #tpu.memory_space<vmem>> -> memref<200x128xf32, #tpu.memory_space<vmem>>
    %dma_start3A_396 = arith.constant 0 : i32
    %dma_start3A_397 = arith.constant 0 : i32
    %dma_start3A_398 = tpu.memref_slice %arg4[%add3A_389, %dma_start3A_396, %dma_start3A_397] : memref<4096x200x128xf32, #tpu.memory_space<hbm>> -> memref<1x200x128xf32, #tpu.memory_space<hbm>>
    %dma_start3A_399 = tpu.memref_squeeze %dma_start3A_398 : memref<1x200x128xf32, #tpu.memory_space<hbm>> -> memref<200x128xf32, #tpu.memory_space<hbm>>
    %dma_start3A_400 = tpu.memref_slice %arg8[%dma_start3A_391] : memref<4x!tpu.dma_semaphore, #tpu.memory_space<semaphore_mem>> -> memref<1x!tpu.dma_semaphore, #tpu.memory_space<semaphore_mem>>
    %dma_start3A_401 = tpu.memref_squeeze %dma_start3A_400 : memref<1x!tpu.dma_semaphore, #tpu.memory_space<semaphore_mem>> -> memref<!tpu.dma_semaphore, #tpu.memory_space<semaphore_mem>>
    %dma_start3A_402 = arith.constant 0 : i32
    %dma_start3A_403 = arith.constant 0 : i32
    %dma_start3A_404 = tpu.memref_slice %arg4[%add3A_389, %dma_start3A_402, %dma_start3A_403] : memref<4096x200x128xf32, #tpu.memory_space<hbm>> -> memref<1x200x128xf32, #tpu.memory_space<hbm>>
    %dma_start3A_405 = tpu.memref_squeeze %dma_start3A_404 : memref<1x200x128xf32, #tpu.memory_space<hbm>> -> memref<200x128xf32, #tpu.memory_space<hbm>>
    %dma_start3A_406 = arith.constant 0 : i32
    %dma_start3A_407 = arith.constant 0 : i32
    %dma_start3A_408 = tpu.memref_slice %arg6[%dma_start3A_390, %dma_start3A_406, %dma_start3A_407] : memref<4x200x128xf32, #tpu.memory_space<vmem>> -> memref<1x200x128xf32, #tpu.memory_space<vmem>>
    %dma_start3A_409 = tpu.memref_squeeze %dma_start3A_408 : memref<1x200x128xf32, #tpu.memory_space<vmem>> -> memref<200x128xf32, #tpu.memory_space<vmem>>
    tpu.enqueue_dma source(%dma_start3A_409 : memref<200x128xf32, #tpu.memory_space<vmem>>) target(%dma_start3A_405 : memref<200x128xf32, #tpu.memory_space<hbm>>) target_semaphore(%dma_start3A_401 : memref<!tpu.dma_semaphore, #tpu.memory_space<semaphore_mem>>)
    %dma_wait3A_410 = arith.constant 2 : i32
    %dma_wait3A_411 = arith.constant 2 : i32
    %dma_wait3A_412 = arith.constant 0 : i32
    %dma_wait3A_413 = arith.constant 0 : i32
    %dma_wait3A_414 = tpu.memref_slice %arg6[%dma_wait3A_410, %dma_wait3A_412, %dma_wait3A_413] : memref<4x200x128xf32, #tpu.memory_space<vmem>> -> memref<1x200x128xf32, #tpu.memory_space<vmem>>
    %dma_wait3A_415 = tpu.memref_squeeze %dma_wait3A_414 : memref<1x200x128xf32, #tpu.memory_space<vmem>> -> memref<200x128xf32, #tpu.memory_space<vmem>>
    %dma_wait3A_416 = arith.constant 25200 : i32
    %dma_wait3A_417 = tpu.memref_slice %arg5[%dma_wait3A_416] : memref<25600xi32, #tpu.memory_space<vmem>> -> memref<200xi32, #tpu.memory_space<vmem>>
    %dma_wait3A_418 = arith.constant 0 : i32
    %dma_wait3A_419 = arith.constant 0 : i32
    %dma_wait3A_420 = tpu.memref_slice %arg3[%dma_wait3A_418, %dma_wait3A_419] : memref<1000000x128xf32, #tpu.memory_space<hbm>> -> memref<1000000x128xf32, #tpu.memory_space<hbm>>
    %dma_wait3A_421 = tpu.memref_slice %arg7[%dma_wait3A_411] : memref<4x!tpu.dma_semaphore, #tpu.memory_space<semaphore_mem>> -> memref<1x!tpu.dma_semaphore, #tpu.memory_space<semaphore_mem>>
    %dma_wait3A_422 = tpu.memref_squeeze %dma_wait3A_421 : memref<1x!tpu.dma_semaphore, #tpu.memory_space<semaphore_mem>> -> memref<!tpu.dma_semaphore, #tpu.memory_space<semaphore_mem>>
    tpu.wait_indirect_dma semaphore(%dma_wait3A_422 : memref<!tpu.dma_semaphore, #tpu.memory_space<semaphore_mem>>) src(%dma_wait3A_420 : memref<1000000x128xf32, #tpu.memory_space<hbm>>) dst(%dma_wait3A_415 : memref<200x128xf32, #tpu.memory_space<vmem>>)
    %add3A_423 = arith.constant 0 : i32
    %add3A_424 = arith.addi %mul3A_2, %add3A_423 : i32
    %dma_wait3A_425 = arith.constant 0 : i32
    %dma_wait3A_426 = arith.constant 0 : i32
    %dma_wait3A_427 = arith.constant 0 : i32
    %dma_wait3A_428 = arith.constant 0 : i32
    %dma_wait3A_429 = tpu.memref_slice %arg6[%dma_wait3A_425, %dma_wait3A_427, %dma_wait3A_428] : memref<4x200x128xf32, #tpu.memory_space<vmem>> -> memref<1x200x128xf32, #tpu.memory_space<vmem>>
    %dma_wait3A_430 = tpu.memref_squeeze %dma_wait3A_429 : memref<1x200x128xf32, #tpu.memory_space<vmem>> -> memref<200x128xf32, #tpu.memory_space<vmem>>
    %dma_wait3A_431 = arith.constant 0 : i32
    %dma_wait3A_432 = arith.constant 0 : i32
    %dma_wait3A_433 = tpu.memref_slice %arg4[%add3A_424, %dma_wait3A_431, %dma_wait3A_432] : memref<4096x200x128xf32, #tpu.memory_space<hbm>> -> memref<1x200x128xf32, #tpu.memory_space<hbm>>
    %dma_wait3A_434 = tpu.memref_squeeze %dma_wait3A_433 : memref<1x200x128xf32, #tpu.memory_space<hbm>> -> memref<200x128xf32, #tpu.memory_space<hbm>>
    %dma_wait3A_435 = tpu.memref_slice %arg8[%dma_wait3A_426] : memref<4x!tpu.dma_semaphore, #tpu.memory_space<semaphore_mem>> -> memref<1x!tpu.dma_semaphore, #tpu.memory_space<semaphore_mem>>
    %dma_wait3A_436 = tpu.memref_squeeze %dma_wait3A_435 : memref<1x!tpu.dma_semaphore, #tpu.memory_space<semaphore_mem>> -> memref<!tpu.dma_semaphore, #tpu.memory_space<semaphore_mem>>
    %dma_wait3A_437 = arith.constant 0 : i32
    %dma_wait3A_438 = arith.constant 0 : i32
    %dma_wait3A_439 = tpu.memref_slice %arg4[%add3A_424, %dma_wait3A_437, %dma_wait3A_438] : memref<4096x200x128xf32, #tpu.memory_space<hbm>> -> memref<1x200x128xf32, #tpu.memory_space<hbm>>
    %dma_wait3A_440 = tpu.memref_squeeze %dma_wait3A_439 : memref<1x200x128xf32, #tpu.memory_space<hbm>> -> memref<200x128xf32, #tpu.memory_space<hbm>>
    %dma_wait3A_441 = arith.constant 0 : i32
    %dma_wait3A_442 = arith.constant 0 : i32
    %dma_wait3A_443 = tpu.memref_slice %arg6[%dma_wait3A_425, %dma_wait3A_441, %dma_wait3A_442] : memref<4x200x128xf32, #tpu.memory_space<vmem>> -> memref<1x200x128xf32, #tpu.memory_space<vmem>>
    %dma_wait3A_444 = tpu.memref_squeeze %dma_wait3A_443 : memref<1x200x128xf32, #tpu.memory_space<vmem>> -> memref<200x128xf32, #tpu.memory_space<vmem>>
    tpu.wait_dma2 semaphore(%dma_wait3A_436 : memref<!tpu.dma_semaphore, #tpu.memory_space<semaphore_mem>>) src(%dma_wait3A_444 : memref<200x128xf32, #tpu.memory_space<vmem>>) dst(%dma_wait3A_440 : memref<200x128xf32, #tpu.memory_space<hbm>>)
    %add3A_445 = arith.constant 126 : i32
    %add3A_446 = arith.addi %mul3A_2, %add3A_445 : i32
    %dma_start3A_447 = arith.constant 2 : i32
    %dma_start3A_448 = arith.constant 2 : i32
    %dma_start3A_449 = arith.constant 0 : i32
    %dma_start3A_450 = arith.constant 0 : i32
    %dma_start3A_451 = tpu.memref_slice %arg6[%dma_start3A_447, %dma_start3A_449, %dma_start3A_450] : memref<4x200x128xf32, #tpu.memory_space<vmem>> -> memref<1x200x128xf32, #tpu.memory_space<vmem>>
    %dma_start3A_452 = tpu.memref_squeeze %dma_start3A_451 : memref<1x200x128xf32, #tpu.memory_space<vmem>> -> memref<200x128xf32, #tpu.memory_space<vmem>>
    %dma_start3A_453 = arith.constant 0 : i32
    %dma_start3A_454 = arith.constant 0 : i32
    %dma_start3A_455 = tpu.memref_slice %arg4[%add3A_446, %dma_start3A_453, %dma_start3A_454] : memref<4096x200x128xf32, #tpu.memory_space<hbm>> -> memref<1x200x128xf32, #tpu.memory_space<hbm>>
    %dma_start3A_456 = tpu.memref_squeeze %dma_start3A_455 : memref<1x200x128xf32, #tpu.memory_space<hbm>> -> memref<200x128xf32, #tpu.memory_space<hbm>>
    %dma_start3A_457 = tpu.memref_slice %arg8[%dma_start3A_448] : memref<4x!tpu.dma_semaphore, #tpu.memory_space<semaphore_mem>> -> memref<1x!tpu.dma_semaphore, #tpu.memory_space<semaphore_mem>>
    %dma_start3A_458 = tpu.memref_squeeze %dma_start3A_457 : memref<1x!tpu.dma_semaphore, #tpu.memory_space<semaphore_mem>> -> memref<!tpu.dma_semaphore, #tpu.memory_space<semaphore_mem>>
    %dma_start3A_459 = arith.constant 0 : i32
    %dma_start3A_460 = arith.constant 0 : i32
    %dma_start3A_461 = tpu.memref_slice %arg4[%add3A_446, %dma_start3A_459, %dma_start3A_460] : memref<4096x200x128xf32, #tpu.memory_space<hbm>> -> memref<1x200x128xf32, #tpu.memory_space<hbm>>
    %dma_start3A_462 = tpu.memref_squeeze %dma_start3A_461 : memref<1x200x128xf32, #tpu.memory_space<hbm>> -> memref<200x128xf32, #tpu.memory_space<hbm>>
    %dma_start3A_463 = arith.constant 0 : i32
    %dma_start3A_464 = arith.constant 0 : i32
    %dma_start3A_465 = tpu.memref_slice %arg6[%dma_start3A_447, %dma_start3A_463, %dma_start3A_464] : memref<4x200x128xf32, #tpu.memory_space<vmem>> -> memref<1x200x128xf32, #tpu.memory_space<vmem>>
    %dma_start3A_466 = tpu.memref_squeeze %dma_start3A_465 : memref<1x200x128xf32, #tpu.memory_space<vmem>> -> memref<200x128xf32, #tpu.memory_space<vmem>>
    tpu.enqueue_dma source(%dma_start3A_466 : memref<200x128xf32, #tpu.memory_space<vmem>>) target(%dma_start3A_462 : memref<200x128xf32, #tpu.memory_space<hbm>>) target_semaphore(%dma_start3A_458 : memref<!tpu.dma_semaphore, #tpu.memory_space<semaphore_mem>>)
    %dma_wait3A_467 = arith.constant 3 : i32
    %dma_wait3A_468 = arith.constant 3 : i32
    %dma_wait3A_469 = arith.constant 0 : i32
    %dma_wait3A_470 = arith.constant 0 : i32
    %dma_wait3A_471 = tpu.memref_slice %arg6[%dma_wait3A_467, %dma_wait3A_469, %dma_wait3A_470] : memref<4x200x128xf32, #tpu.memory_space<vmem>> -> memref<1x200x128xf32, #tpu.memory_space<vmem>>
    %dma_wait3A_472 = tpu.memref_squeeze %dma_wait3A_471 : memref<1x200x128xf32, #tpu.memory_space<vmem>> -> memref<200x128xf32, #tpu.memory_space<vmem>>
    %dma_wait3A_473 = arith.constant 25400 : i32
    %dma_wait3A_474 = tpu.memref_slice %arg5[%dma_wait3A_473] : memref<25600xi32, #tpu.memory_space<vmem>> -> memref<200xi32, #tpu.memory_space<vmem>>
    %dma_wait3A_475 = arith.constant 0 : i32
    %dma_wait3A_476 = arith.constant 0 : i32
    %dma_wait3A_477 = tpu.memref_slice %arg3[%dma_wait3A_475, %dma_wait3A_476] : memref<1000000x128xf32, #tpu.memory_space<hbm>> -> memref<1000000x128xf32, #tpu.memory_space<hbm>>
    %dma_wait3A_478 = tpu.memref_slice %arg7[%dma_wait3A_468] : memref<4x!tpu.dma_semaphore, #tpu.memory_space<semaphore_mem>> -> memref<1x!tpu.dma_semaphore, #tpu.memory_space<semaphore_mem>>
    %dma_wait3A_479 = tpu.memref_squeeze %dma_wait3A_478 : memref<1x!tpu.dma_semaphore, #tpu.memory_space<semaphore_mem>> -> memref<!tpu.dma_semaphore, #tpu.memory_space<semaphore_mem>>
    tpu.wait_indirect_dma semaphore(%dma_wait3A_479 : memref<!tpu.dma_semaphore, #tpu.memory_space<semaphore_mem>>) src(%dma_wait3A_477 : memref<1000000x128xf32, #tpu.memory_space<hbm>>) dst(%dma_wait3A_472 : memref<200x128xf32, #tpu.memory_space<vmem>>)
    %add3A_480 = arith.constant 0 : i32
    %add3A_481 = arith.addi %mul3A_2, %add3A_480 : i32
    %dma_wait3A_482 = arith.constant 1 : i32
    %dma_wait3A_483 = arith.constant 1 : i32
    %dma_wait3A_484 = arith.constant 0 : i32
    %dma_wait3A_485 = arith.constant 0 : i32
    %dma_wait3A_486 = tpu.memref_slice %arg6[%dma_wait3A_482, %dma_wait3A_484, %dma_wait3A_485] : memref<4x200x128xf32, #tpu.memory_space<vmem>> -> memref<1x200x128xf32, #tpu.memory_space<vmem>>
    %dma_wait3A_487 = tpu.memref_squeeze %dma_wait3A_486 : memref<1x200x128xf32, #tpu.memory_space<vmem>> -> memref<200x128xf32, #tpu.memory_space<vmem>>
    %dma_wait3A_488 = arith.constant 0 : i32
    %dma_wait3A_489 = arith.constant 0 : i32
    %dma_wait3A_490 = tpu.memref_slice %arg4[%add3A_481, %dma_wait3A_488, %dma_wait3A_489] : memref<4096x200x128xf32, #tpu.memory_space<hbm>> -> memref<1x200x128xf32, #tpu.memory_space<hbm>>
    %dma_wait3A_491 = tpu.memref_squeeze %dma_wait3A_490 : memref<1x200x128xf32, #tpu.memory_space<hbm>> -> memref<200x128xf32, #tpu.memory_space<hbm>>
    %dma_wait3A_492 = tpu.memref_slice %arg8[%dma_wait3A_483] : memref<4x!tpu.dma_semaphore, #tpu.memory_space<semaphore_mem>> -> memref<1x!tpu.dma_semaphore, #tpu.memory_space<semaphore_mem>>
    %dma_wait3A_493 = tpu.memref_squeeze %dma_wait3A_492 : memref<1x!tpu.dma_semaphore, #tpu.memory_space<semaphore_mem>> -> memref<!tpu.dma_semaphore, #tpu.memory_space<semaphore_mem>>
    %dma_wait3A_494 = arith.constant 0 : i32
    %dma_wait3A_495 = arith.constant 0 : i32
    %dma_wait3A_496 = tpu.memref_slice %arg4[%add3A_481, %dma_wait3A_494, %dma_wait3A_495] : memref<4096x200x128xf32, #tpu.memory_space<hbm>> -> memref<1x200x128xf32, #tpu.memory_space<hbm>>
    %dma_wait3A_497 = tpu.memref_squeeze %dma_wait3A_496 : memref<1x200x128xf32, #tpu.memory_space<hbm>> -> memref<200x128xf32, #tpu.memory_space<hbm>>
    %dma_wait3A_498 = arith.constant 0 : i32
    %dma_wait3A_499 = arith.constant 0 : i32
    %dma_wait3A_500 = tpu.memref_slice %arg6[%dma_wait3A_482, %dma_wait3A_498, %dma_wait3A_499] : memref<4x200x128xf32, #tpu.memory_space<vmem>> -> memref<1x200x128xf32, #tpu.memory_space<vmem>>
    %dma_wait3A_501 = tpu.memref_squeeze %dma_wait3A_500 : memref<1x200x128xf32, #tpu.memory_space<vmem>> -> memref<200x128xf32, #tpu.memory_space<vmem>>
    tpu.wait_dma2 semaphore(%dma_wait3A_493 : memref<!tpu.dma_semaphore, #tpu.memory_space<semaphore_mem>>) src(%dma_wait3A_501 : memref<200x128xf32, #tpu.memory_space<vmem>>) dst(%dma_wait3A_497 : memref<200x128xf32, #tpu.memory_space<hbm>>)
    %add3A_502 = arith.constant 127 : i32
    %add3A_503 = arith.addi %mul3A_2, %add3A_502 : i32
    %dma_start3A_504 = arith.constant 3 : i32
    %dma_start3A_505 = arith.constant 3 : i32
    %dma_start3A_506 = arith.constant 0 : i32
    %dma_start3A_507 = arith.constant 0 : i32
    %dma_start3A_508 = tpu.memref_slice %arg6[%dma_start3A_504, %dma_start3A_506, %dma_start3A_507] : memref<4x200x128xf32, #tpu.memory_space<vmem>> -> memref<1x200x128xf32, #tpu.memory_space<vmem>>
    %dma_start3A_509 = tpu.memref_squeeze %dma_start3A_508 : memref<1x200x128xf32, #tpu.memory_space<vmem>> -> memref<200x128xf32, #tpu.memory_space<vmem>>
    %dma_start3A_510 = arith.constant 0 : i32
    %dma_start3A_511 = arith.constant 0 : i32
    %dma_start3A_512 = tpu.memref_slice %arg4[%add3A_503, %dma_start3A_510, %dma_start3A_511] : memref<4096x200x128xf32, #tpu.memory_space<hbm>> -> memref<1x200x128xf32, #tpu.memory_space<hbm>>
    %dma_start3A_513 = tpu.memref_squeeze %dma_start3A_512 : memref<1x200x128xf32, #tpu.memory_space<hbm>> -> memref<200x128xf32, #tpu.memory_space<hbm>>
    %dma_start3A_514 = tpu.memref_slice %arg8[%dma_start3A_505] : memref<4x!tpu.dma_semaphore, #tpu.memory_space<semaphore_mem>> -> memref<1x!tpu.dma_semaphore, #tpu.memory_space<semaphore_mem>>
    %dma_start3A_515 = tpu.memref_squeeze %dma_start3A_514 : memref<1x!tpu.dma_semaphore, #tpu.memory_space<semaphore_mem>> -> memref<!tpu.dma_semaphore, #tpu.memory_space<semaphore_mem>>
    %dma_start3A_516 = arith.constant 0 : i32
    %dma_start3A_517 = arith.constant 0 : i32
    %dma_start3A_518 = tpu.memref_slice %arg4[%add3A_503, %dma_start3A_516, %dma_start3A_517] : memref<4096x200x128xf32, #tpu.memory_space<hbm>> -> memref<1x200x128xf32, #tpu.memory_space<hbm>>
    %dma_start3A_519 = tpu.memref_squeeze %dma_start3A_518 : memref<1x200x128xf32, #tpu.memory_space<hbm>> -> memref<200x128xf32, #tpu.memory_space<hbm>>
    %dma_start3A_520 = arith.constant 0 : i32
    %dma_start3A_521 = arith.constant 0 : i32
    %dma_start3A_522 = tpu.memref_slice %arg6[%dma_start3A_504, %dma_start3A_520, %dma_start3A_521] : memref<4x200x128xf32, #tpu.memory_space<vmem>> -> memref<1x200x128xf32, #tpu.memory_space<vmem>>
    %dma_start3A_523 = tpu.memref_squeeze %dma_start3A_522 : memref<1x200x128xf32, #tpu.memory_space<vmem>> -> memref<200x128xf32, #tpu.memory_space<vmem>>
    tpu.enqueue_dma source(%dma_start3A_523 : memref<200x128xf32, #tpu.memory_space<vmem>>) target(%dma_start3A_519 : memref<200x128xf32, #tpu.memory_space<hbm>>) target_semaphore(%dma_start3A_515 : memref<!tpu.dma_semaphore, #tpu.memory_space<semaphore_mem>>)
    %add3A_524 = arith.constant 0 : i32
    %add3A_525 = arith.addi %mul3A_2, %add3A_524 : i32
    %dma_wait3A_526 = arith.constant 2 : i32
    %dma_wait3A_527 = arith.constant 2 : i32
    %dma_wait3A_528 = arith.constant 0 : i32
    %dma_wait3A_529 = arith.constant 0 : i32
    %dma_wait3A_530 = tpu.memref_slice %arg6[%dma_wait3A_526, %dma_wait3A_528, %dma_wait3A_529] : memref<4x200x128xf32, #tpu.memory_space<vmem>> -> memref<1x200x128xf32, #tpu.memory_space<vmem>>
    %dma_wait3A_531 = tpu.memref_squeeze %dma_wait3A_530 : memref<1x200x128xf32, #tpu.memory_space<vmem>> -> memref<200x128xf32, #tpu.memory_space<vmem>>
    %dma_wait3A_532 = arith.constant 0 : i32
    %dma_wait3A_533 = arith.constant 0 : i32
    %dma_wait3A_534 = tpu.memref_slice %arg4[%add3A_525, %dma_wait3A_532, %dma_wait3A_533] : memref<4096x200x128xf32, #tpu.memory_space<hbm>> -> memref<1x200x128xf32, #tpu.memory_space<hbm>>
    %dma_wait3A_535 = tpu.memref_squeeze %dma_wait3A_534 : memref<1x200x128xf32, #tpu.memory_space<hbm>> -> memref<200x128xf32, #tpu.memory_space<hbm>>
    %dma_wait3A_536 = tpu.memref_slice %arg8[%dma_wait3A_527] : memref<4x!tpu.dma_semaphore, #tpu.memory_space<semaphore_mem>> -> memref<1x!tpu.dma_semaphore, #tpu.memory_space<semaphore_mem>>
    %dma_wait3A_537 = tpu.memref_squeeze %dma_wait3A_536 : memref<1x!tpu.dma_semaphore, #tpu.memory_space<semaphore_mem>> -> memref<!tpu.dma_semaphore, #tpu.memory_space<semaphore_mem>>
    %dma_wait3A_538 = arith.constant 0 : i32
    %dma_wait3A_539 = arith.constant 0 : i32
    %dma_wait3A_540 = tpu.memref_slice %arg4[%add3A_525, %dma_wait3A_538, %dma_wait3A_539] : memref<4096x200x128xf32, #tpu.memory_space<hbm>> -> memref<1x200x128xf32, #tpu.memory_space<hbm>>
    %dma_wait3A_541 = tpu.memref_squeeze %dma_wait3A_540 : memref<1x200x128xf32, #tpu.memory_space<hbm>> -> memref<200x128xf32, #tpu.memory_space<hbm>>
    %dma_wait3A_542 = arith.constant 0 : i32
    %dma_wait3A_543 = arith.constant 0 : i32
    %dma_wait3A_544 = tpu.memref_slice %arg6[%dma_wait3A_526, %dma_wait3A_542, %dma_wait3A_543] : memref<4x200x128xf32, #tpu.memory_space<vmem>> -> memref<1x200x128xf32, #tpu.memory_space<vmem>>
    %dma_wait3A_545 = tpu.memref_squeeze %dma_wait3A_544 : memref<1x200x128xf32, #tpu.memory_space<vmem>> -> memref<200x128xf32, #tpu.memory_space<vmem>>
    tpu.wait_dma2 semaphore(%dma_wait3A_537 : memref<!tpu.dma_semaphore, #tpu.memory_space<semaphore_mem>>) src(%dma_wait3A_545 : memref<200x128xf32, #tpu.memory_space<vmem>>) dst(%dma_wait3A_541 : memref<200x128xf32, #tpu.memory_space<hbm>>)
    %add3A_546 = arith.constant 0 : i32
    %add3A_547 = arith.addi %mul3A_2, %add3A_546 : i32
    %dma_wait3A_548 = arith.constant 3 : i32
    %dma_wait3A_549 = arith.constant 3 : i32
    %dma_wait3A_550 = arith.constant 0 : i32
    %dma_wait3A_551 = arith.constant 0 : i32
    %dma_wait3A_552 = tpu.memref_slice %arg6[%dma_wait3A_548, %dma_wait3A_550, %dma_wait3A_551] : memref<4x200x128xf32, #tpu.memory_space<vmem>> -> memref<1x200x128xf32, #tpu.memory_space<vmem>>
    %dma_wait3A_553 = tpu.memref_squeeze %dma_wait3A_552 : memref<1x200x128xf32, #tpu.memory_space<vmem>> -> memref<200x128xf32, #tpu.memory_space<vmem>>
    %dma_wait3A_554 = arith.constant 0 : i32
    %dma_wait3A_555 = arith.constant 0 : i32
    %dma_wait3A_556 = tpu.memref_slice %arg4[%add3A_547, %dma_wait3A_554, %dma_wait3A_555] : memref<4096x200x128xf32, #tpu.memory_space<hbm>> -> memref<1x200x128xf32, #tpu.memory_space<hbm>>
    %dma_wait3A_557 = tpu.memref_squeeze %dma_wait3A_556 : memref<1x200x128xf32, #tpu.memory_space<hbm>> -> memref<200x128xf32, #tpu.memory_space<hbm>>
    %dma_wait3A_558 = tpu.memref_slice %arg8[%dma_wait3A_549] : memref<4x!tpu.dma_semaphore, #tpu.memory_space<semaphore_mem>> -> memref<1x!tpu.dma_semaphore, #tpu.memory_space<semaphore_mem>>
    %dma_wait3A_559 = tpu.memref_squeeze %dma_wait3A_558 : memref<1x!tpu.dma_semaphore, #tpu.memory_space<semaphore_mem>> -> memref<!tpu.dma_semaphore, #tpu.memory_space<semaphore_mem>>
    %dma_wait3A_560 = arith.constant 0 : i32
    %dma_wait3A_561 = arith.constant 0 : i32
    %dma_wait3A_562 = tpu.memref_slice %arg4[%add3A_547, %dma_wait3A_560, %dma_wait3A_561] : memref<4096x200x128xf32, #tpu.memory_space<hbm>> -> memref<1x200x128xf32, #tpu.memory_space<hbm>>
    %dma_wait3A_563 = tpu.memref_squeeze %dma_wait3A_562 : memref<1x200x128xf32, #tpu.memory_space<hbm>> -> memref<200x128xf32, #tpu.memory_space<hbm>>
    %dma_wait3A_564 = arith.constant 0 : i32
    %dma_wait3A_565 = arith.constant 0 : i32
    %dma_wait3A_566 = tpu.memref_slice %arg6[%dma_wait3A_548, %dma_wait3A_564, %dma_wait3A_565] : memref<4x200x128xf32, #tpu.memory_space<vmem>> -> memref<1x200x128xf32, #tpu.memory_space<vmem>>
    %dma_wait3A_567 = tpu.memref_squeeze %dma_wait3A_566 : memref<1x200x128xf32, #tpu.memory_space<vmem>> -> memref<200x128xf32, #tpu.memory_space<vmem>>
    tpu.wait_dma2 semaphore(%dma_wait3A_559 : memref<!tpu.dma_semaphore, #tpu.memory_space<semaphore_mem>>) src(%dma_wait3A_567 : memref<200x128xf32, #tpu.memory_space<vmem>>) dst(%dma_wait3A_563 : memref<200x128xf32, #tpu.memory_space<hbm>>)
    return
  }
}

</mosaic_0001>

<sc_bundles>
// kernel: kernel.3.cloned.1.call-start
scs
__scs_entry_jumppad:
0x0: {  	(pc) =	sbr.rel $0x88, $3  }
0x1: {  	(tag) =	ssettag $0x0;
	lr =	simm.s32 $0x1  }
0x2: {  	[smem:$0x3F9F] =	sst lr;
	_ =	strace $0xD0000000  }
0x3: {  	_ = 	snop  }
0x4: {  	_ = 	snop  }
0x5: {  	_ = 	snop  }
0x6: {  	_ = 	snop  }
0x7: {  	_ = 	snop  }
__scs_overlays_trampoline_lowered:
0x8: {  	[smem:$0x3FAE] =	sst s0  }
0x9: {  	[smem:$0x3FAF] =	sst s1  }
0xa: {  	[smem:$0x3FB0] =	sst s2  }
0xb: {  	[smem:$0x3FB1] =	sst s3  }
0xc: {  	[smem:$0x3FB2] =	sst s4  }
0xd: {  	[smem:$0x3FB3] =	sst s5  }
0xe: {  	[smem:$0x3FB4] =	sst s6  }
0xf: {  	[smem:$0x3FB5] =	sst s7  }
0x10: {  	[smem:$0x3FB6] =	sst s8  }
0x11: {  	[smem:$0x3FB7] =	sst s9;
	s0 =	simm.s32 @!p0 $0x0  }
0x12: {  	s1 =	sld [smem:$0x3F9D];
	s0 =	simm.s32 @p0 $0x1  }
0x13: {  	[smem:$0x3FB8] =	sst s0;
	s0 =	simm.s32 @!p1 $0x0  }
0x14: {  	s2 =	sld [smem:$0x3F9C];
	s0 =	simm.s32 @p1 $0x1  }
0x15: {  	[smem:$0x3FB9] =	sst s0;
	s0 =	simm.s32 @!p2 $0x0  }
0x16: {  	s3 =	sld [smem:$0x3FDB];
	s0 =	simm.s32 @p2 $0x1  }
0x17: {  	s4 =	simm.s32 $0x1BF5;
	[smem:$0x3FBB] =	sst s0  }
0x18: {  	s0 =	sld [smem:$0x3F9E];
	_ =	swait.ge [sflag:s4], $0x0  }
0x19: {  	s7 =	sld [smem:$0x3F9F]  }
0x1a: {  	s8 =	sadd.s32 $0xFFFFE003, lr  }
0x1b: {  	s9 =	sadd.s32 $0xFFFFFEF7, lr;
	s5 =	simm.s32 $0xFFFFFFFF;
	p2 =	slt.u32 s8, $0xFFFFF086  }
0x1c: {  	p1 =	slt.u32 s9, $0xF7A;
	s5 =	simm.s32 @!p2 $0x0  }
0x1d: {  	s5 =	simm.s32 @p1 $0x1;
	p0 =	seq.s32 s7, s2  }
0x1e: {  	s7 =	smul.u32 @!p0 $0xF7A, s2;
	p2 =	seq.s32 @!p0 s5, $0x0  }
0x1f: {  	s9 =	smul.u32 $0xF7A, s1;
	s8 =	simm.s32 @!p0 $0x1BF5;
	p2 =	por !p2, p0  }
0x20: {  	[sflag:s8] =	ssyncset.s32 @!p0 $0xFFFFF086;
	s6 =	sadd.s32 @!p0 s3, s7;
	s7 =	simm.s32 @!p0 $0x108  }
0x21: {  	s3 =	sadd.s32 s3, s9;
	s6 =	sadd.s32 @!p0 $0x88, s6;
	s7 =	simm.s32 @p2 $0x1082  }
0x22: {  	[simem:s7], [sflag:s8] =	dma.local @!p0 [hbm:s6], $0xF7A  }
0x23: {  	s9 =	sor.u32 $0xD0000000, s2;
	s6 =	simm.s32 $0x108;
	_ =	swait.ge @!p0 [sflag:s8], $0x0  }
0x24: {  	s3 =	sadd.s32 $0x88, s3;
	s6 =	simm.s32 @!p1 $0x1082;
	[sflag:s4] =	ssyncset.s32 $0xFFFFF086  }
0x25: {  	[simem:s6], [sflag:s4] =	dma.local [hbm:s3], $0xF7A  }
0x26: {  	[smem:$0x3F9F] =	sst s1;
	(tag) =	ssettag s2;
	_ =	strace s9  }
0x27: {  	s1 =	sld [smem:$0x3FAF]  }
0x28: {  	s2 =	sld [smem:$0x3FB0]  }
0x29: {  	s4 =	sld [smem:$0x3FB2]  }
0x2a: {  	p0 =	seq.s32 s5, $0x0;
	s5 =	sld [smem:$0x3FB3]  }
0x2b: {  	s6 =	sld [smem:$0x3FB4]  }
0x2c: {  	s7 =	sld [smem:$0x3FB5]  }
0x2d: {  	s3 =	simm.s32 $0x108;
	s8 =	sld [smem:$0x3FB6]  }
0x2e: {  	s3 =	simm.s32 @!p0 $0x1082;
	s9 =	sld [smem:$0x3FB7]  }
0x2f: {  	lr =	sadd.s32 s0, s3;
	s0 =	sld [smem:$0x3FAE]  }
0x30: {  	s3 =	sld [smem:$0x3FB1]  }
0x31: {  	[smem:$0x3FBA] =	sst s10  }
0x32: {  	s10 =	sld [smem:$0x3FB8];
	_ =	sdelay $0x3  }
0x33: {  	p0 =	seq.s32 s10, $0x1;
	s10 =	sld [smem:$0x3FBA];
	_ =	sdelay $0x3  }
0x34: {  	[smem:$0x3FBA] =	sst s10  }
0x35: {  	s10 =	sld [smem:$0x3FB9];
	_ =	sdelay $0x3  }
0x36: {  	p1 =	seq.s32 s10, $0x1;
	s10 =	sld [smem:$0x3FBA];
	_ =	sdelay $0x3  }
0x37: {  	[smem:$0x3FBA] =	sst s10  }
0x38: {  	s10 =	sld [smem:$0x3FBB]  }
0x39: {  	_ = 	snop;
	(pc) =	sbr.ind lr, $3  }
0x3a: {  	_ = 	snop  }
0x3b: {  	_ = 	snop  }
0x3c: {  	p2 =	seq.s32 s10, $0x1;
	s10 =	sld [smem:$0x3FBA]  }
0x3d: {  	_ =	shalt  }
0x3e: {  	_ =	shalt  }
0x3f: {  	_ =	shalt  }
0x40: {  	_ =	shalt  }
0x41: {  	_ =	shalt  }
0x42: {  	_ =	shalt  }
0x43: {  	_ =	shalt  }
0x44: {  	_ =	shalt  }
0x45: {  	_ =	shalt  }
0x46: {  	_ =	shalt  }
0x47: {  	_ =	shalt  }
0x48: {  	_ =	shalt  }
0x49: {  	_ =	shalt  }
0x4a: {  	_ =	shalt  }
0x4b: {  	_ =	shalt  }
0x4c: {  	_ =	shalt  }
0x4d: {  	_ =	shalt  }
0x4e: {  	_ =	shalt  }
0x4f: {  	_ =	shalt  }
0x50: {  	_ =	shalt  }
0x51: {  	_ =	shalt  }
0x52: {  	_ =	shalt  }
0x53: {  	_ =	shalt  }
0x54: {  	_ =	shalt  }
0x55: {  	_ =	shalt  }
0x56: {  	_ =	shalt  }
0x57: {  	_ =	shalt  }
0x58: {  	_ =	shalt  }
0x59: {  	_ =	shalt  }
0x5a: {  	_ =	shalt  }
0x5b: {  	_ =	shalt  }
0x5c: {  	_ =	shalt  }
0x5d: {  	_ =	shalt  }
0x5e: {  	_ =	shalt  }
0x5f: {  	_ =	shalt  }
0x60: {  	_ =	shalt  }
0x61: {  	_ =	shalt  }
0x62: {  	_ =	shalt  }
0x63: {  	_ =	shalt  }
0x64: {  	_ =	shalt  }
0x65: {  	_ =	shalt  }
0x66: {  	_ =	shalt  }
0x67: {  	_ =	shalt  }
0x68: {  	_ =	shalt  }
0x69: {  	_ =	shalt  }
0x6a: {  	_ =	shalt  }
0x6b: {  	_ =	shalt  }
0x6c: {  	_ =	shalt  }
0x6d: {  	_ =	shalt  }
0x6e: {  	_ =	shalt  }
0x6f: {  	_ =	shalt  }
0x70: {  	_ =	shalt  }
0x71: {  	_ =	shalt  }
0x72: {  	_ =	shalt  }
0x73: {  	_ =	shalt  }
0x74: {  	_ =	shalt  }
0x75: {  	_ =	shalt  }
0x76: {  	_ =	shalt  }
0x77: {  	_ =	shalt  }
0x78: {  	_ =	shalt  }
0x79: {  	_ =	shalt  }
0x7a: {  	_ =	shalt  }
0x7b: {  	_ =	shalt  }
0x7c: {  	_ =	shalt  }
0x7d: {  	_ =	shalt  }
0x7e: {  	_ =	shalt  }
0x7f: {  	_ =	shalt  }
0x80: {  	_ =	shalt  }
0x81: {  	_ =	shalt  }
0x82: {  	_ =	shalt  }
0x83: {  	_ =	shalt  }
0x84: {  	_ =	shalt  }
0x85: {  	_ =	shalt  }
0x86: {  	_ =	shalt  }
0x87: {  	_ =	shalt  }
.Lfunc_end0:
.L_simem_size_0:
called_computation.1_lowered:
.L_overlay_start_0:
0x88: {  	s2 =	sld [smem:$0x3FD9]  }
0x89: {  	s3 =	sld [smem:$0x3FFE];
	_ =	sdelay $0x1  }
0x8a: {  	s1 =	srdreg.scid  }
0x8b: {  	s0 =	sand.u32 $0x1, s1  }
0x8c: {  	s17 =	sshll.u32 s0, $0xA;
	s2 =	sadd.s32 s3, s2  }
0x8d: {  	s2 =	sadd.s32 s2, s17  }
0x8e: {  	[smem:$0x3FC6] =	sst s2  }
0x8f: {  	_ = 	snop  }
0x90: {  	s2 =	sld [smem:$0x3FD0];
	(tm) =	ssettm $0x1  }
0x91: {  	s18 =	sld [smem:$0x3FFB];
	_ =	sdelay $0x3  }
0x92: {  	_ =	strace s18  }
0x93: {  	s3 =	sld [smem:$0x3FFC];
	_ =	sdelay $0x3  }
0x94: {  	_ =	strace s3  }
0x95: {  	s3 =	sld [smem:$0x3FFD];
	_ =	sdelay $0x3  }
0x96: {  	_ =	strace s3  }
0x97: {  	_ =	strace $0x8FFFFFFF  }
0x98: {  	s19 =	sld [smem:$0x3FDB];
	_ =	sdelay $0x1  }
0x99: {  	s4 =	simm.s32 $_scs_section_size  }
0x9a: {  	s5 =	simm.s32 $_size__tile_overlayer_lowered;
	s6 =	simm.s32 $_tile_overlayer_lowered  }
0x9b: {  	s22 =	simm.s32 $0x1BFF;
	s21 =	sshll.u32 s6, $0x1;
	s3 =	sadd.s32 s4, s19  }
0x9c: {  	s7 =	simm.s32 $0x0;
	s20 =	sshll.u32 s5, $0x1;
	s5 =	sadd.s32 s21, s3  }
0x9d: {  	[timem:s7], [sflag:s22] =	dma.local [hbm:s5], s20  }
0x9e: {  	_ =	swait.ge [sflag:s22], s20  }
0x9f: {  	s4 =	ssub.s32 $0x0, s20;
	[sflag:s22] =	ssyncset.done $0x0  }
0xa0: {  	[sflag:s22] =	ssyncadd.s32 s4;
	_ =	sdelay $0x1  }
0xa1: {  	s23 =	simm.s32 $0x1B8B  }
0xa2: {  	_ =	swait.ge [sflag:s23], $0x1  }
0xa3: {  	[sflag:s23] =	ssyncset.done $0x0  }
0xa4: {  	s25 =	simm.s32 $0x1B8E;
	s24 =	sld [smem:$0x3FFE];
	[sflag:s23] =	ssyncadd.s32 $0xFFFFFFFF  }
0xa5: {  	s26 =	simm.s32 $execute0_lowered;
	[smem:$0x3FD2] =	sst s25  }
0xa6: {  	s5 =	sshll.u32 s26, $0x1;
	_ =	strace $0x80000046;
	[dreg:$0x1] =	wrdreg $0xFFFFFFFF  }
0xa7: {  	s28 =	simm.s32 $_size_execute0_lowered;
	s3 =	sadd.s32 s3, s5;
	[dreg:$0x0] =	wrdreg $0x0  }
0xa8: {  	s5 =	sshll.u32 s28, $0x1;
	[dreg:$0x2] =	wrdreg s3  }
0xa9: {  	[dreg:$0x3] =	wrdreg s5  }
0xaa: {  	[dreg:$0x4] =	wrdreg $0xC0  }
0xab: {  	_ =	task [dreg:s7], $0x5FFFF  }
0xac: {  	[dreg:$0x1] =	wrdreg $0xFFFFFFFF  }
0xad: {  	[dreg:$0x0] =	wrdreg $0x60  }
0xae: {  	[dreg:$0x2] =	wrdreg s2  }
0xaf: {  	[dreg:$0x3] =	wrdreg s24  }
0xb0: {  	[dreg:$0x4] =	wrdreg $0x9  }
0xb1: {  	_ =	task.clear_ibuf [dreg:s7], $0x5FFFF;
	_ =	strace $0x90000046  }
0xb2: {  	s29 =	simm.s32 $0x9;
	_ =	strace $0x80000048  }
0xb3: {  	_ =	swait.ge [sflag:s29], $0x1  }
0xb4: {  	[sflag:s29] =	ssyncadd.s32 $0xFFFFFFFF  }
0xb5: {  	_ =	strace $0x90000048  }
0xb6: {  	_ =	sfence  }
0xb7: {  	s30 =	sld [smem:$0x0];
	_ =	sdelay $0x2  }
0xb8: {  	s31 =	sshll.u32 s1, $0xD;
	s1 =	sshrl.u32 s1, $0x2  }
0xb9: {  	s3 =	sand.u32 $0x4000, s31;
	s1 =	sadd.s32 s1, s30  }
0xba: {  	s0 =	sor.u32 s3, s0;
	s1 =	sshll.u32 s1, $0x11  }
0xbb: {  	s0 =	sor.u32 s1, s0  }
0xbc: {  	s0 =	sadd.s32 $0x8F2B, s0  }
0xbd: {  	[sflag:s0] =	ssyncadd.remote.s32 $0x1  }
0xbe: {  	_ =	sfence.sel $0xFFFF  }
0xbf: {  	[dreg:$0x0] =	wrdreg $0xFFFFFFFF;
	(pc) =	sbr.abs _section_cstart, $3  }
0xc0: {  	[dreg:$0x1] =	wrdreg $0xFFFFFFFF  }
0xc1: {  	_ =	task.clear_ibuf [dreg:s7], $0x2FFFF;
	_ =	strace $0x9FFFFFFF  }
0xc2: {  	(tm) =	ssettm $0x7FFFFFFF  }
0xc3: {  	_ =	shalt  }
tec
execute0_lowered:
.L_overlay_start_1:
0x0: {  	(tag) =	ssettag $0x1  }
0x1: {  	s0 =	rddreg [dreg:$0x0]  }
0x2: {  	s1 =	rddreg [dreg:$0x1];
	s3 =	srdreg.scid  }
0x3: {  	s11 =	stileid.u32;
	s2 =	simm.s32 $0x0;
	s15 =	simm.s32 $0x9  }
0x4: {  	s16 =	simm.s32 $0xC8;
	s17 =	simm.s32 $0x6400;
	s18 =	simm.s32 $0xC800  }
0x5: {  	s19 =	simm.s32 $0x1;
	s21 =	simm.s32 $0x12C00;
	s22 =	simm.s32 $0x2  }
0x6: {  	s24 =	simm.s32 $0x19000;
	s29 =	simm.s32 $0x4;
	s30 =	simm.s32 $0x6  }
0x7: {  	s8 =	sand.u32 $0x1, s3;
	s25 =	sshll.u32 s11, $0x1;
	s31 =	smul.u32 $0xC8000, s11  }
0x8: {  	s28 =	simm.s32 $0x0;
	s4 =	sor.u32 s8, s25;
	s12 =	smul.u32 $0x64000, s8  }
0x9: {  	[smem:$0x7FF] =	sst s2;
	s3 =	sadd.s32 $0xF42E00, s1;
	s5 =	smul.u32 $0xC80, s4  }
0xa: {  	s1 =	sadd.s32 $0xA00, s1;
	s6 =	ssub.s32 $0x2, s8;
	s7 =	smul.u32 $0x64000, s4  }
0xb: {  	_ =	strace $0x80000047;
	s9 =	sshrl.u32 s6, $0x1;
	s10 =	smul.u32 $0x320000, s4  }
0xc: {  	s25 =	simm.s32 $0x3;
	s13 =	ssub.s32 s6, s9;
	s0 =	sadd.s32 s0, s5  }
0xd: {  	s5 =	sadd.s32 s1, s7;
	s26 =	sshrl.u32 s10, $0x3;
	s13 =	smax.u32 s13, $0x1  }
0xe: {  	[dreg:$0x3] =	wrdreg s0;
	s6 =	sadd.s32 $0xC80, s5;
	s7 =	sadd.s32 $0x1900, s5  }
0xf: {  	s0 =	sadd.s32 s1, s26;
	s8 =	sadd.s32 $0x2580, s5;
	s1 =	sadd.s32 s31, s1  }
0x10: {  	s26 =	simm.s32 $0x5;
	s9 =	sadd.s32 $0x60E00, s0;
	s10 =	sadd.s32 $0x61A80, s0  }
0x11: {  	s11 =	sadd.s32 $0x62700, s0;
	s1 =	sadd.s32 s12, s1;
	s12 =	sadd.s32 $0x63380, s0  }
0x12: {  	s0 =	simm.s32 $0x7;
	s14 =	sadd.s32 $0x3200, s1;
	s1 =	simm.s32 $0x8  }
.LBB2_1:
0x13: {  	s4 =	rddreg [dreg:$0x3]  }
0x14: {  	[tilespmem:s2], [sflag:$0x9] =	stream.linear.gather [hbm4b:s4+s2], $0x6400, $0x38;
	[tilespmem:$0x1F400] =	vst v63  }
0x15: {  	_ =	swait.ge [sflag:s15], $0x6400  }
0x16: {  	[sflag:s15] =	ssyncset.done $0x0  }
0x17: {  	[sflag:s15] =	ssyncadd.s32 $0xFFFF9C00  }
0x18: {  	[tilespmem:s17], [sflag:$0x1] =	stream.indirect.gather [hbm4b:s3+s16], $0x80, s2, s16, $0xb8;
	[tilespmem:$0x1F400] =	vst v63  }
0x19: {  	_ = 	snop  }
0x1a: {  	[tilespmem:s18], [sflag:$0x2] =	stream.indirect.gather [hbm4b:s3+s16], $0x80, s16, s16, $0xb8;
	[tilespmem:$0x1F400] =	vst v63  }
0x1b: {  	_ =	swait.ge [sflag:s19], $0x6400  }
0x1c: {  	[sflag:s19] =	ssyncset.done $0x0  }
0x1d: {  	s23 =	simm.s32 $0x190;
	[sflag:s19] =	ssyncadd.s32 $0xFFFF9C00  }
0x1e: {  	[tilespmem:s21], [sflag:$0x3] =	stream.indirect.gather [hbm4b:s3+s16], $0x80, s23, s16, $0xb8;
	[tilespmem:$0x1F400] =	vst v63  }
0x1f: {  	_ = 	snop  }
0x20: {  	[hbm4b:s5+s2] =	stream.linear.scatter [tilespmem:s17], [sflag:$0x5], $0x6400, $0x38;
	[tilespmem:$0x1F400] =	vst v63  }
0x21: {  	_ =	swait.ge [sflag:s22], $0x6400  }
0x22: {  	[sflag:s22] =	ssyncset.done $0x0  }
0x23: {  	s20 =	simm.s32 $0x258;
	[sflag:s22] =	ssyncadd.s32 $0xFFFF9C00  }
0x24: {  	[tilespmem:s24], [sflag:$0x4] =	stream.indirect.gather [hbm4b:s3+s16], $0x80, s20, s16, $0xb8;
	[tilespmem:$0x1F400] =	vst v63  }
0x25: {  	_ = 	snop  }
0x26: {  	[hbm4b:s6+s2] =	stream.linear.scatter [tilespmem:s18], [sflag:$0x6], $0x6400, $0x38;
	[tilespmem:$0x1F400] =	vst v63  }
0x27: {  	_ =	swait.ge [sflag:s25], $0x6400  }
0x28: {  	[sflag:s25] =	ssyncset.done $0x0  }
0x29: {  	[sflag:s25] =	ssyncadd.s32 $0xFFFF9C00  }
0x2a: {  	_ =	swait.ge [sflag:s26], $0x6400  }
0x2b: {  	[sflag:s26] =	ssyncset.done $0x0  }
0x2c: {  	s23 =	simm.s32 $0x320;
	[sflag:s26] =	ssyncadd.s32 $0xFFFF9C00  }
0x2d: {  	[tilespmem:s17], [sflag:$0x1] =	stream.indirect.gather [hbm4b:s3+s16], $0x80, s23, s16, $0xb8;
	[tilespmem:$0x1F400] =	vst v63  }
0x2e: {  	_ = 	snop  }
0x2f: {  	[hbm4b:s7+s2] =	stream.linear.scatter [tilespmem:s21], [sflag:$0x7], $0x6400, $0x38;
	[tilespmem:$0x1F400] =	vst v63  }
0x30: {  	_ =	swait.ge [sflag:s29], $0x6400  }
0x31: {  	[sflag:s29] =	ssyncset.done $0x0  }
0x32: {  	[sflag:s29] =	ssyncadd.s32 $0xFFFF9C00  }
0x33: {  	_ =	swait.ge [sflag:s30], $0x6400  }
0x34: {  	[sflag:s30] =	ssyncset.done $0x0  }
0x35: {  	s20 =	simm.s32 $0x3E8;
	[sflag:s30] =	ssyncadd.s32 $0xFFFF9C00  }
0x36: {  	[tilespmem:s18], [sflag:$0x2] =	stream.indirect.gather [hbm4b:s3+s16], $0x80, s20, s16, $0xb8;
	[tilespmem:$0x1F400] =	vst v63  }
0x37: {  	_ = 	snop  }
0x38: {  	[hbm4b:s8+s2] =	stream.linear.scatter [tilespmem:s24], [sflag:$0x8], $0x6400, $0x38;
	[tilespmem:$0x1F400] =	vst v63  }
0x39: {  	_ =	swait.ge [sflag:s19], $0x6400  }
0x3a: {  	[sflag:s19] =	ssyncset.done $0x0  }
0x3b: {  	[sflag:s19] =	ssyncadd.s32 $0xFFFF9C00  }
0x3c: {  	_ =	swait.ge [sflag:s0], $0x6400  }
0x3d: {  	[sflag:s0] =	ssyncset.done $0x0  }
0x3e: {  	s20 =	simm.s32 $0x4B0;
	[sflag:s0] =	ssyncadd.s32 $0xFFFF9C00  }
0x3f: {  	[tilespmem:s21], [sflag:$0x3] =	stream.indirect.gather [hbm4b:s3+s16], $0x80, s20, s16, $0xb8;
	[tilespmem:$0x1F400] =	vst v63  }
0x40: {  	_ = 	snop  }
0x41: {  	[hbm4b:s14+s2] =	stream.linear.scatter [tilespmem:s17], [sflag:$0x5], $0x6400, $0x38;
	[tilespmem:$0x1F400] =	vst v63  }
0x42: {  	_ =	swait.ge [sflag:s22], $0x6400  }
0x43: {  	[sflag:s22] =	ssyncset.done $0x0  }
0x44: {  	[sflag:s22] =	ssyncadd.s32 $0xFFFF9C00  }
0x45: {  	_ =	swait.ge [sflag:s1], $0x6400  }
0x46: {  	[sflag:s1] =	ssyncset.done $0x0  }
0x47: {  	s23 =	simm.s32 $0x578;
	[sflag:s1] =	ssyncadd.s32 $0xFFFF9C00  }
0x48: {  	[tilespmem:s24], [sflag:$0x4] =	stream.indirect.gather [hbm4b:s3+s16], $0x80, s23, s16, $0xb8;
	[tilespmem:$0x1F400] =	vst v63  }
0x49: {  	s4 =	sadd.s32 $0xC80, s14  }
0x4a: {  	[hbm4b:s4+s2] =	stream.linear.scatter [tilespmem:s18], [sflag:$0x6], $0x6400, $0x38;
	[tilespmem:$0x1F400] =	vst v63  }
0x4b: {  	_ =	swait.ge [sflag:s25], $0x6400  }
0x4c: {  	[sflag:s25] =	ssyncset.done $0x0  }
0x4d: {  	[sflag:s25] =	ssyncadd.s32 $0xFFFF9C00  }
0x4e: {  	_ =	swait.ge [sflag:s26], $0x6400  }
0x4f: {  	[sflag:s26] =	ssyncset.done $0x0  }
0x50: {  	s23 =	simm.s32 $0x640;
	[sflag:s26] =	ssyncadd.s32 $0xFFFF9C00  }
0x51: {  	[tilespmem:s17], [sflag:$0x1] =	stream.indirect.gather [hbm4b:s3+s16], $0x80, s23, s16, $0xb8;
	[tilespmem:$0x1F400] =	vst v63  }
0x52: {  	s4 =	sadd.s32 $0x1900, s14  }
0x53: {  	[hbm4b:s4+s2] =	stream.linear.scatter [tilespmem:s21], [sflag:$0x7], $0x6400, $0x38;
	[tilespmem:$0x1F400] =	vst v63  }
0x54: {  	_ =	swait.ge [sflag:s29], $0x6400  }
0x55: {  	[sflag:s29] =	ssyncset.done $0x0  }
0x56: {  	[sflag:s29] =	ssyncadd.s32 $0xFFFF9C00  }
0x57: {  	_ =	swait.ge [sflag:s30], $0x6400  }
0x58: {  	[sflag:s30] =	ssyncset.done $0x0  }
0x59: {  	s23 =	simm.s32 $0x708;
	[sflag:s30] =	ssyncadd.s32 $0xFFFF9C00  }
0x5a: {  	[tilespmem:s18], [sflag:$0x2] =	stream.indirect.gather [hbm4b:s3+s16], $0x80, s23, s16, $0xb8;
	[tilespmem:$0x1F400] =	vst v63  }
0x5b: {  	s31 =	simm.s32 $0xC80;
	s20 =	sadd.s32 $0x3200, s14;
	s23 =	sadd.s32 $0x2580, s14  }
.LBB2_2:
0x5c: {  	[hbm4b:s23+s2] =	stream.linear.scatter [tilespmem:s24], [sflag:$0x8], $0x6400, $0x38;
	[tilespmem:$0x1F400] =	vst v63  }
0x5d: {  	s23 =	smov.u32 s31  }
0x5e: {  	p0 =	sne.s32 s31, $0x16A80;
	s31 =	sadd.s32 $0xC80, s31;
	_ =	swait.ge [sflag:s19], $0x6400  }
0x5f: {  	[sflag:s19] =	ssyncset.done $0x0  }
0x60: {  	[sflag:s19] =	ssyncadd.s32 $0xFFFF9C00  }
0x61: {  	_ =	swait.ge [sflag:s0], $0x6400  }
0x62: {  	s23 =	sshra.s32 s23, $0x2;
	[sflag:s0] =	ssyncset.done $0x0  }
0x63: {  	s4 =	sadd.s32 $0x4B0, s23;
	[sflag:s0] =	ssyncadd.s32 $0xFFFF9C00  }
0x64: {  	[tilespmem:s21], [sflag:$0x3] =	stream.indirect.gather [hbm4b:s3+s16], $0x80, s4, s16, $0xb8;
	[tilespmem:$0x1F400] =	vst v63  }
0x65: {  	_ = 	snop  }
0x66: {  	[hbm4b:s20+s2] =	stream.linear.scatter [tilespmem:s17], [sflag:$0x5], $0x6400, $0x38;
	[tilespmem:$0x1F400] =	vst v63  }
0x67: {  	_ =	swait.ge [sflag:s22], $0x6400  }
0x68: {  	[sflag:s22] =	ssyncset.done $0x0  }
0x69: {  	[sflag:s22] =	ssyncadd.s32 $0xFFFF9C00  }
0x6a: {  	_ =	swait.ge [sflag:s1], $0x6400  }
0x6b: {  	[sflag:s1] =	ssyncset.done $0x0  }
0x6c: {  	s4 =	sadd.s32 $0x578, s23;
	[sflag:s1] =	ssyncadd.s32 $0xFFFF9C00  }
0x6d: {  	[tilespmem:s24], [sflag:$0x4] =	stream.indirect.gather [hbm4b:s3+s16], $0x80, s4, s16, $0xb8;
	[tilespmem:$0x1F400] =	vst v63  }
0x6e: {  	s4 =	sadd.s32 $0xC80, s20  }
0x6f: {  	[hbm4b:s4+s2] =	stream.linear.scatter [tilespmem:s18], [sflag:$0x6], $0x6400, $0x38;
	[tilespmem:$0x1F400] =	vst v63  }
0x70: {  	_ =	swait.ge [sflag:s25], $0x6400  }
0x71: {  	[sflag:s25] =	ssyncset.done $0x0  }
0x72: {  	[sflag:s25] =	ssyncadd.s32 $0xFFFF9C00  }
0x73: {  	_ =	swait.ge [sflag:s26], $0x6400  }
0x74: {  	[sflag:s26] =	ssyncset.done $0x0  }
0x75: {  	s4 =	sadd.s32 $0x640, s23;
	[sflag:s26] =	ssyncadd.s32 $0xFFFF9C00  }
0x76: {  	[tilespmem:s17], [sflag:$0x1] =	stream.indirect.gather [hbm4b:s3+s16], $0x80, s4, s16, $0xb8;
	[tilespmem:$0x1F400] =	vst v63  }
0x77: {  	s4 =	sadd.s32 $0x1900, s20  }
0x78: {  	[hbm4b:s4+s2] =	stream.linear.scatter [tilespmem:s21], [sflag:$0x7], $0x6400, $0x38;
	[tilespmem:$0x1F400] =	vst v63  }
0x79: {  	_ =	swait.ge [sflag:s29], $0x6400  }
0x7a: {  	[sflag:s29] =	ssyncset.done $0x0  }
0x7b: {  	[sflag:s29] =	ssyncadd.s32 $0xFFFF9C00  }
.Ltmp0:
0x7c: {  	_ =	swait.ge [sflag:s30], $0x6400;
	(pc) =	sbr.rel @p0 .LBB2_2-.Ltmp0, $4  }
0x7d: {  	[sflag:s30] =	ssyncset.done $0x0  }
0x7e: {  	s4 =	sadd.s32 $0x708, s23;
	[sflag:s30] =	ssyncadd.s32 $0xFFFF9C00  }
0x7f: {  	[tilespmem:s18], [sflag:$0x2] =	stream.indirect.gather [hbm4b:s3+s16], $0x80, s4, s16, $0xb8;
	[tilespmem:$0x1F400] =	vst v63  }
0x80: {  	s23 =	sadd.s32 $0x2580, s20;
	s20 =	sadd.s32 $0x3200, s20  }
0x81: {  	[hbm4b:s23+s2] =	stream.linear.scatter [tilespmem:s24], [sflag:$0x8], $0x6400, $0x38;
	[tilespmem:$0x1F400] =	vst v63  }
0x82: {  	_ =	swait.ge [sflag:s19], $0x6400  }
0x83: {  	[sflag:s19] =	ssyncset.done $0x0  }
0x84: {  	[sflag:s19] =	ssyncadd.s32 $0xFFFF9C00  }
0x85: {  	_ =	swait.ge [sflag:s0], $0x6400  }
0x86: {  	[sflag:s0] =	ssyncset.done $0x0  }
0x87: {  	s4 =	simm.s32 $0x6270;
	[sflag:s0] =	ssyncadd.s32 $0xFFFF9C00  }
0x88: {  	[tilespmem:s21], [sflag:$0x3] =	stream.indirect.gather [hbm4b:s3+s16], $0x80, s4, s16, $0xb8;
	[tilespmem:$0x1F400] =	vst v63  }
0x89: {  	_ = 	snop  }
0x8a: {  	[hbm4b:s9+s2] =	stream.linear.scatter [tilespmem:s17], [sflag:$0x5], $0x6400, $0x38;
	[tilespmem:$0x1F400] =	vst v63  }
0x8b: {  	_ =	swait.ge [sflag:s22], $0x6400  }
0x8c: {  	[sflag:s22] =	ssyncset.done $0x0  }
0x8d: {  	[sflag:s22] =	ssyncadd.s32 $0xFFFF9C00  }
0x8e: {  	_ =	swait.ge [sflag:s1], $0x6400  }
0x8f: {  	[sflag:s1] =	ssyncset.done $0x0  }
0x90: {  	s31 =	simm.s32 $0x6338;
	[sflag:s1] =	ssyncadd.s32 $0xFFFF9C00  }
0x91: {  	[tilespmem:s24], [sflag:$0x4] =	stream.indirect.gather [hbm4b:s3+s16], $0x80, s31, s16, $0xb8;
	[tilespmem:$0x1F400] =	vst v63  }
0x92: {  	_ = 	snop  }
0x93: {  	[hbm4b:s10+s2] =	stream.linear.scatter [tilespmem:s18], [sflag:$0x6], $0x6400, $0x38;
	[tilespmem:$0x1F400] =	vst v63  }
0x94: {  	_ =	swait.ge [sflag:s25], $0x6400  }
0x95: {  	[sflag:s25] =	ssyncset.done $0x0  }
0x96: {  	[sflag:s25] =	ssyncadd.s32 $0xFFFF9C00  }
0x97: {  	_ =	swait.ge [sflag:s26], $0x6400  }
0x98: {  	[sflag:s26] =	ssyncset.done $0x0  }
0x99: {  	[sflag:s26] =	ssyncadd.s32 $0xFFFF9C00  }
0x9a: {  	[hbm4b:s11+s2] =	stream.linear.scatter [tilespmem:s21], [sflag:$0x7], $0x6400, $0x38;
	[tilespmem:$0x1F400] =	vst v63  }
0x9b: {  	_ =	swait.ge [sflag:s29], $0x6400  }
0x9c: {  	[sflag:s29] =	ssyncset.done $0x0  }
0x9d: {  	[sflag:s29] =	ssyncadd.s32 $0xFFFF9C00  }
0x9e: {  	_ =	swait.ge [sflag:s30], $0x6400  }
0x9f: {  	[sflag:s30] =	ssyncset.done $0x0  }
0xa0: {  	s28 =	sadd.s32 $0x1, s28;
	[sflag:s30] =	ssyncadd.s32 $0xFFFF9C00  }
0xa1: {  	[hbm4b:s12+s2] =	stream.linear.scatter [tilespmem:s24], [sflag:$0x8], $0x6400, $0x38;
	[tilespmem:$0x1F400] =	vst v63  }
0xa2: {  	p0 =	sne.s32 s28, s13;
	_ =	swait.ge [sflag:s0], $0x6400  }
.Ltmp1:
0xa3: {  	[sflag:s0] =	ssyncset.done $0x0;
	(pc) =	sbr.rel @p0 .LBB2_1-.Ltmp1, $4  }
0xa4: {  	[sflag:s0] =	ssyncadd.s32 $0xFFFF9C00  }
0xa5: {  	_ =	swait.ge [sflag:s1], $0x6400  }
0xa6: {  	[sflag:s1] =	ssyncset.done $0x0  }
0xa7: {  	[sflag:s1] =	ssyncadd.s32 $0xFFFF9C00  }
0xa8: {  	_ =	sfence.sel $0x180000  }
0xa9: {  	[bflag:$0x0] =	sbarrier.arrive $0xFFFF  }
0xaa: {  	_ =	strace $0x90000047  }
0xab: {  	s0 =	stileid.u32;
	[bflag:$0x2] =	sbarrier.arrive $0xFFFF  }
0xac: {  	p0 =	sne.s32 s0, $0x0;
	s0 =	rddreg [dreg:$0x2]  }
0xad: {  	s0 =	sadd.s32 @!p0 $0x100000, s0  }
0xae: {  	[sflag:s0] =	ssyncadd.tile.s32 @!p0 $0x1;
	_ =	shalt  }
.Lfunc_end2:
_tile_overlayer_lowered:
.L_overlay_start_2:
0xaf: {  	(tag) =	ssettag $0x2  }
0xb0: {  	s0 =	rddreg [dreg:$0x0];
	s2 =	stileid.u32  }
0xb1: {  	s1 =	rddreg [dreg:$0x1];
	p0 =	sne.s32 s2, $0x0  }
0xb2: {  	s3 =	rddreg [dreg:$0x2];
	[bflag:$0x3] =	sbarrier.arrive $0xFFFF;
	s2 =	simm.s32 @!p0 $0x1C09  }
0xb3: {  	[timem:s3], [sflag:s2] =	dma.local @!p0 [hbm:s0], s1  }
0xb4: {  	s0 =	simm.s32 @!p0 $0x9  }
0xb5: {  	_ =	swait.ge @!p0 [sflag:s0], s1  }
0xb6: {  	s1 =	ssub.s32 @!p0 $0x0, s1;
	[sflag:s0] =	ssyncset.done @!p0 $0x0  }
0xb7: {  	[sflag:s0] =	ssyncadd.s32 @!p0 s1  }
0xb8: {  	[bflag:$0x3] =	sbarrier.arrive $0xFFFF  }
0xb9: {  	_ =	shalt  }

// kernel: sparse-core-data-format-call.cloned.1.call-start
scs
called_computation_lowered:
.L_overlay_start_0:
0x0: {  	s2 =	sld [smem:$0x3FD9]  }
0x1: {  	s3 =	sld [smem:$0x3FFE];
	_ =	sdelay $0x1  }
0x2: {  	s1 =	srdreg.scid  }
0x3: {  	s0 =	sand.u32 $0x1, s1  }
0x4: {  	s18 =	sshll.u32 s0, $0xA;
	s2 =	sadd.s32 s3, s2  }
0x5: {  	s2 =	sadd.s32 s2, s18  }
0x6: {  	[smem:$0x3FC6] =	sst s2  }
0x7: {  	_ = 	snop  }
0x8: {  	s2 =	sld [smem:$0x3FD0];
	(tm) =	ssettm $0x1  }
0x9: {  	s19 =	sld [smem:$0x3FFB];
	_ =	sdelay $0x3  }
0xa: {  	_ =	strace s19  }
0xb: {  	s3 =	sld [smem:$0x3FFC];
	_ =	sdelay $0x3  }
0xc: {  	_ =	strace s3  }
0xd: {  	s3 =	sld [smem:$0x3FFD];
	_ =	sdelay $0x3  }
0xe: {  	_ =	strace s3  }
0xf: {  	_ =	strace $0x8FFFFFFF  }
0x10: {  	s20 =	sld [smem:$0x3FDB];
	_ =	sdelay $0x1  }
0x11: {  	s4 =	simm.s32 $_scs_section_size  }
0x12: {  	s5 =	simm.s32 $_size__tile_overlayer_lowered;
	s6 =	simm.s32 $_tile_overlayer_lowered  }
0x13: {  	s23 =	simm.s32 $0x1BFF;
	s22 =	sshll.u32 s6, $0x1;
	s3 =	sadd.s32 s4, s20  }
0x14: {  	s7 =	simm.s32 $0x0;
	s21 =	sshll.u32 s5, $0x1;
	s5 =	sadd.s32 s22, s3  }
0x15: {  	[timem:s7], [sflag:s23] =	dma.local [hbm:s5], s21  }
0x16: {  	_ =	swait.ge [sflag:s23], s21  }
0x17: {  	s4 =	ssub.s32 $0x0, s21;
	[sflag:s23] =	ssyncset.done $0x0  }
0x18: {  	[sflag:s23] =	ssyncadd.s32 s4;
	_ =	sdelay $0x1  }
0x19: {  	s24 =	simm.s32 $0x1B8B  }
0x1a: {  	_ =	swait.ge [sflag:s24], $0x1  }
0x1b: {  	[sflag:s24] =	ssyncset.done $0x0  }
0x1c: {  	s26 =	simm.s32 $0x1B8E;
	s25 =	sld [smem:$0x3FFE];
	[sflag:s24] =	ssyncadd.s32 $0xFFFFFFFF  }
0x1d: {  	s27 =	simm.s32 $execute0_lowered;
	[smem:$0x3FD2] =	sst s26  }
0x1e: {  	s5 =	sshll.u32 s27, $0x1;
	_ =	strace $0x80000049;
	[dreg:$0x1] =	wrdreg $0xFFFFFFFF  }
0x1f: {  	s28 =	simm.s32 $_size_execute0_lowered;
	s3 =	sadd.s32 s3, s5;
	[dreg:$0x0] =	wrdreg $0x0  }
0x20: {  	s5 =	sshll.u32 s28, $0x1;
	[dreg:$0x2] =	wrdreg s3  }
0x21: {  	[dreg:$0x3] =	wrdreg s5  }
0x22: {  	[dreg:$0x4] =	wrdreg $0xC0  }
0x23: {  	_ =	task [dreg:s7], $0x5FFFF  }
0x24: {  	[dreg:$0x1] =	wrdreg $0xFFFFFFFF  }
0x25: {  	[dreg:$0x0] =	wrdreg $0x60  }
0x26: {  	[dreg:$0x2] =	wrdreg s25  }
0x27: {  	[dreg:$0x3] =	wrdreg s2  }
0x28: {  	[dreg:$0x4] =	wrdreg $0x9  }
0x29: {  	_ =	task.clear_ibuf [dreg:s7], $0x5FFFF;
	_ =	strace $0x90000049  }
0x2a: {  	s29 =	simm.s32 $0x9;
	_ =	strace $0x8000004B  }
0x2b: {  	_ =	swait.ge [sflag:s29], $0x1  }
0x2c: {  	[sflag:s29] =	ssyncadd.s32 $0xFFFFFFFF  }
0x2d: {  	_ =	strace $0x9000004B  }
0x2e: {  	_ =	sfence  }
0x2f: {  	s30 =	sld [smem:$0x0];
	_ =	sdelay $0x2  }
0x30: {  	s31 =	sshll.u32 s1, $0xD;
	s1 =	sshrl.u32 s1, $0x2  }
0x31: {  	s3 =	sand.u32 $0x4000, s31;
	s1 =	sadd.s32 s1, s30  }
0x32: {  	s0 =	sor.u32 s3, s0;
	s1 =	sshll.u32 s1, $0x11  }
0x33: {  	s0 =	sor.u32 s1, s0  }
0x34: {  	s0 =	sadd.s32 $0x8F2B, s0  }
0x35: {  	[sflag:s0] =	ssyncadd.remote.s32 $0x1  }
0x36: {  	_ =	sfence.sel $0xFFFF  }
0x37: {  	[dreg:$0x0] =	wrdreg $0xFFFFFFFF;
	(pc) =	sbr.abs _section_cstart, $3  }
0x38: {  	[dreg:$0x1] =	wrdreg $0xFFFFFFFF  }
0x39: {  	_ =	task.clear_ibuf [dreg:s7], $0x2FFFF;
	_ =	strace $0x9FFFFFFF  }
0x3a: {  	(tm) =	ssettm $0x7FFFFFFF  }
0x3b: {  	_ =	shalt  }
tec
execute0_lowered:
.L_overlay_start_1:
0x0: {  	(tag) =	ssettag $0x1  }
0x1: {  	s0 =	srdreg.scid  }
0x2: {  	s1 =	sshll.u32 s0, $0x4  }
0x3: {  	s0 =	stileid.u32;
	s1 =	sand.u32 $0x10, s1  }
0x4: {  	s1 =	sor.u32 s0, s1  }
0x5: {  	s6 =	rddreg [dreg:$0x0];
	s4 =	simm.s32 $0x1;
	s2 =	sshll.u32 s1, $0x7  }
0x6: {  	s7 =	simm.s32 $0x2;
	s12 =	simm.s32 $0x0;
	s1 =	ssub.s32 $0x1000, s2  }
0x7: {  	s8 =	simm.s32 $0x8000;
	s13 =	simm.s32 $0x0;
	s3 =	sand.u32 $0xF80, s1  }
0x8: {  	s9 =	simm.s32 $0x0;
	s5 =	sshrl.u32 s1, $0xC;
	p0 =	sne.s32 s3, $0x0  }
.Ltmp0:
0x9: {  	s1 =	rddreg [dreg:$0x2];
	s4 =	simm.s32 @!p0 $0x0;
	(pc) =	sbr.rel .LBB1_1-.Ltmp0, $4  }
0xa: {  	s11 =	simm.s32 $0x0;
	s3 =	rddreg [dreg:$0x1];
	s5 =	sadd.s32 s4, s5  }
0xb: {  	_ =	strace $0x8000004A;
	s4 =	simm.s32 $0x1;
	s5 =	smul.u32 $0xC8, s5  }
0xc: {  	s6 =	sadd.s32 $0xA00, s6;
	s10 =	smov.u32 s2;
	[sflag:s4] =	ssyncpa.u1 $0x0  }
0xd: {  	p0 =	por $0x0, $0x0;
	[sflag:s7] =	ssyncpa.u1 $0x0;
	s7 =	sor.u32 $0x1, s5  }
.LBB1_4:
0xe: {  	s16 =	sshll.u32 s13, $0x3;
	s17 =	sand.u32 $0x78, s13  }
0xf: {  	s30 =	sand.u32 $0x7E00, s13;
	s12 =	sshll.u32 s12, $0xF;
	s16 =	sand.u32 $0xC00, s16  }
0x10: {  	[tilespmem:s15+$0x810 ss:$0x81] =	vst.msk $0xffff, v2;
	s31 =	sand.u32 $0x7, s13;
	s16 =	sor.u32 s17, s16;
	s17 =	sadd.s32 s3, s30  }
0x11: {  	[tilespmem:s15+$0x1020 ss:$0x81] =	vst.msk $0xffff, v0;
	s13 =	sshll.u32 s31, $0x12;
	s12 =	sadd.s32 s12, s17;
	s16 =	sshrl.u32 s16, $0x3  }
0x12: {  	[tilespmem:s15+$0x0 ss:$0x81] =	vst.msk $0xffff, v1;
	s13 =	sor.u32 $0x400, s13;
	s12 =	sadd.s32 s16, s12  }
0x13: {  	[hbm4b:s12+s13] =	stream.strided.scatter [tilespmem:s14], [sflag:$0x2], $0x2000, s8, s13, $0x20;
	[tilespmem:$0x8080] =	vst v63  }
.LBB1_5:
0x14: {  	s14 =	sadd.s32 $0x1, s9  }
0x15: {  	s12 =	sadd.s32 $0x1000, s10;
	s16 =	smov.u32 s10;
	p2 =	sgt.s32 s14, $0xC7  }
0x16: {  	s16 =	smov.u32 @p2 s12  }
0x17: {  	s14 =	simm.s32 @p2 $0x0;
	p2 =	sgt.s32 s16, $0xFFF  }
0x18: {  	s16 =	smov.u32 @p2 s2;
	p2 =	sne.s32 s11, s7  }
.Ltmp1:
0x19: {  	p1 =	slt.u32 s11, $0x2;
	(pc) =	sbr.rel @!p2 .LBB1_6-.Ltmp1, $4  }
0x1a: {  	s15 =	simm.s32 @!p1 $0x2  }
0x1b: {  	s13 =	smov.u32 s10;
	p0 =	por !p0, !p0;
	_ =	swait.ge @!p1 [sflag:s15], $0x2000  }
0x1c: {  	s12 =	smov.u32 s9;
	[sflag:s15] =	ssyncset.done @!p1 $0x0;
	s9 =	smov.u32 s14  }
0x1d: {  	s11 =	sadd.s32 $0x1, s11;
	[sflag:s15] =	ssyncadd.s32 @!p1 $0xFFFFE000;
	s10 =	smov.u32 s16  }
.LBB1_1:
0x1e: {  	p1 =	sge.u32 s11, s5  }
0x1f: {  	s14 =	sand.u32 @!p1 $0x1FFFFFF, s9  }
0x20: {  	s15 =	smulhi.u32 @!p1 $0x147AE15, s14;
	_ =	sdelay $0x1  }
0x21: {  	s15 =	smul.u32 @!p1 $0xC8, s15  }
0x22: {  	s16 =	sxor.u32 @!p1 $0xFFFFFFFF, s11;
	s17 =	smul.u32 @!p1 $0xC80, s10  }
0x23: {  	s31 =	sadd.s32 $0xFFFFFFFF, s11;
	s16 =	sshll.u32 @!p1 s16, $0xD;
	s14 =	ssub.s32 @!p1 s14, s15  }
0x24: {  	s15 =	sand.u32 @!p1 $0x2000, s16;
	s16 =	sadd.s32 @!p1 s6, s17;
	s14 =	sshll.u32 @!p1 s14, $0x4  }
0x25: {  	s17 =	simm.s32 @!p1 $0x6400;
	s14 =	sadd.s32 @!p1 s14, s16;
	s16 =	simm.s32 @!p1 $0x40  }
0x26: {  	[tilespmem:s15], [sflag:$0x1] =	stream.strided.gather @!p1 [hbm4b:s14+s16], $0x2000, s17, s16, $0x38;
	[tilespmem:$0x8080] =	vst v63  }
0x27: {  	p1 =	sge.u32 s31, s5  }
.Ltmp2:
0x28: {  	_ = 	snop;
	(pc) =	sbr.rel @p1 .LBB1_5-.Ltmp2, $1  }
0x29: {  	_ =	sdelay $0x3  }
0x2a: {  	s14 =	simm.s32 $0x1  }
0x2b: {  	_ =	swait.ge [sflag:s4], $0x2000;
	s14 =	simm.s32 @!p0 $0x0  }
0x2c: {  	[sflag:s4] =	ssyncset.done $0x0;
	s15 =	sshll.u32 s14, $0xD  }
0x2d: {  	[sflag:s4] =	ssyncadd.s32 $0xFFFFE000;
	s18 =	sor.u32 $0x20, s15  }
0x2e: {  	s14 =	smul.u32 $0x8100, s14;
	v3 =	vld [tilespmem:s18+$0x10]  }
0x2f: {  	s30 =	sand.u32 $0x1, s11;
	v2 =	vld [tilespmem:s18+$0xFFFFFFF0]  }
0x30: {  	s15 =	smul.u32 $0x8100, s30;
	s14 =	sshrl.u32 s14, $0x2;
	v0 =	vld [tilespmem:s18+$0x0]  }
0x31: {  	v1 =	vld [tilespmem:s18+$0xFFFFFFE0];
	s16 =	sor.u32 $0x4000, s14  }
0x32: {  	s31 =	sshrl.u32 s15, $0x2;
	s15 =	sadd.s32 $0x0, s16  }
0x33: {  	s17 =	simm.s32 $0x4;
	s18 =	sadd.s32 $0x40, s18;
	s14 =	sor.u32 $0x4000, s31;
	[tilespmem:s15+$0x1830 ss:$0x81] =	vst.msk $0xffff, v3  }
.LBB1_3:
0x34: {  	v3 =	vld [tilespmem:s18+$0x10];
	p1 =	sne.s32 s17, $0x1FC;
	[tilespmem:s15+$0x810 ss:$0x81] =	vst.msk $0xffff, v2;
	s19 =	smov.u32 s17;
	s17 =	sadd.s32 $0x4, s17  }
.Ltmp3:
0x35: {  	v2 =	vld [tilespmem:s18+$0xFFFFFFF0];
	[tilespmem:s15+$0x1020 ss:$0x81] =	vst.msk $0xffff, v0;
	(pc) =	sbr.rel @p1 .LBB1_3-.Ltmp3, $4  }
0x36: {  	v0 =	vld [tilespmem:s18+$0x0];
	[tilespmem:s15+$0x0 ss:$0x81] =	vst.msk $0xffff, v1  }
0x37: {  	s15 =	sshra.s32 s19, $0x2;
	v1 =	vld [tilespmem:s18+$0xFFFFFFE0]  }
0x38: {  	s15 =	sadd.s32 s15, s16  }
0x39: {  	s18 =	sadd.s32 $0x40, s18;
	[tilespmem:s15+$0x1830 ss:$0x81] =	vst.msk $0xffff, v3  }
.Ltmp4:
0x3a: {  	_ = 	snop;
	(pc) =	sbr.rel .LBB1_4-.Ltmp4, $1  }
0x3b: {  	_ =	sdelay $0x3  }
.LBB1_6:
0x3c: {  	_ =	sfence.sel $0x180000  }
0x3d: {  	s2 =	simm.s32 $0x1;
	[bflag:$0x0] =	sbarrier.arrive $0xFFFF  }
0x3e: {  	s31 =	simm.s32 $0x2;
	[sflag:s2] =	ssyncpa.u1 $0x1  }
0x3f: {  	[sflag:s31] =	ssyncpa.u1 $0x1  }
0x40: {  	p0 =	sne.s32 s0, $0x0;
	_ =	strace $0x9000004A  }
0x41: {  	s0 =	sadd.s32 @!p0 $0x100000, s1;
	[bflag:$0x2] =	sbarrier.arrive $0xFFFF  }
0x42: {  	[sflag:s0] =	ssyncadd.tile.s32 @!p0 $0x1;
	_ =	shalt  }
.Lfunc_end1:
_tile_overlayer_lowered:
.L_overlay_start_2:
0x43: {  	(tag) =	ssettag $0x2  }
0x44: {  	s0 =	rddreg [dreg:$0x0];
	s2 =	stileid.u32  }
0x45: {  	s1 =	rddreg [dreg:$0x1];
	p0 =	sne.s32 s2, $0x0  }
0x46: {  	s3 =	rddreg [dreg:$0x2];
	[bflag:$0x3] =	sbarrier.arrive $0xFFFF;
	s2 =	simm.s32 @!p0 $0x1C01  }
0x47: {  	[timem:s3], [sflag:s2] =	dma.local @!p0 [hbm:s0], s1  }
0x48: {  	s0 =	simm.s32 @!p0 $0x1  }
0x49: {  	_ =	swait.ge @!p0 [sflag:s0], s1  }
0x4a: {  	s1 =	ssub.s32 @!p0 $0x0, s1;
	[sflag:s0] =	ssyncset.done @!p0 $0x0  }
0x4b: {  	[sflag:s0] =	ssyncadd.s32 @!p0 s1  }
0x4c: {  	[bflag:$0x3] =	sbarrier.arrive $0xFFFF  }
0x4d: {  	_ =	shalt  }

</sc_bundles>
